<compile_context>
chip_gen: v7x
topology: tpu7x:2x2x1
jax: 0.10.2.dev20260603
libtpu: 0.0.44.dev20260713+nightly
codegen_flags: <defaults>
</compile_context>

<pallas_src>
import functools

import jax
import jax.numpy as jnp
from jax import lax
from jax.experimental import pallas as pl
from jax.experimental.pallas import tpu as pltpu
from jax.experimental.pallas import tpu_sc as plsc

_NC = 2
_NS = 16
_NW = _NC * _NS
_CH = 128
_BR = 16384


def _sc_scatter(idx3d, upd2, M):
    N, W = upd2.shape
    per_w = N // _NW
    n_ch = per_w // _CH

    mesh = plsc.VectorSubcoreMesh(
        core_axis_name="c", subcore_axis_name="s",
        num_cores=_NC, num_subcores=_NS,
    )

    @functools.partial(
        pl.kernel,
        out_type=jax.ShapeDtypeStruct((M, W), jnp.float32),
        mesh=mesh,
        scratch_types=[
            pltpu.VMEM((n_ch, _CH), jnp.int32),
            pltpu.VMEM((per_w, W), jnp.float32),
            pltpu.SemaphoreType.DMA,
        ],
    )
    def scatter_kernel(idx_hbm, upd_hbm, out_hbm, idxv, updv, sem):
        wid = lax.axis_index("s") * _NC + lax.axis_index("c")
        cp_i = pltpu.async_copy(idx_hbm.at[pl.ds(wid * n_ch, n_ch)], idxv, sem)
        cp_u = pltpu.async_copy(upd_hbm.at[pl.ds(wid * per_w, per_w)], updv, sem)
        cp_i.wait()
        cp_u.wait()
        for j in range(n_ch):
            pltpu.sync_copy(
                updv.at[pl.ds(j * _CH, _CH)], out_hbm.at[idxv.at[j]]
            )

    return scatter_kernel(idx3d, upd2)


def _tr_body(x_ref, t_ref, o_ref):
    y = x_ref[...][:, :64].T
    mask = (t_ref[...] > 0)[None, :]
    o_ref[...] = jnp.where(mask, y, 0.0)


def _tc_finalize(l5, tick, M, D):
    grid = (M + _BR - 1) // _BR
    return pl.pallas_call(
        _tr_body,
        grid=(grid,),
        in_specs=[
            pl.BlockSpec((_BR, 128), lambda i: (i, 0)),
            pl.BlockSpec((_BR,), lambda i: (i,)),
        ],
        out_specs=pl.BlockSpec((D, _BR), lambda i: (0, i)),
        out_shape=jax.ShapeDtypeStruct((D, M), jnp.float32),
    )(l5, tick)


def kernel(target_g, original_level_h, original_level_idx):
    M = target_g.shape[0]
    N, D = original_level_h.shape
    idx = original_level_idx.astype(jnp.int32)

    pos = jnp.arange(N, dtype=jnp.int32)
    tick = jnp.zeros((M,), jnp.int32).at[idx].max(pos + 1)
    winner = tick[idx] - 1
    upd = original_level_h[winner]

    upd2 = jnp.concatenate([upd, upd], axis=1)
    idx3d = idx.reshape(N // _CH, _CH)

    l5 = _sc_scatter(idx3d, upd2, M)
    out_t = _tc_finalize(l5, tick, M, D)
    return out_t.T

# --- scband reference (transcript-rebuilt; emitter-appended) ---
"""Pipeline reference for scband-up-one-21199958573441 (READ-ONLY COPY).

The authoritative reference and input builder live on the scoring server;
editing this copy changes nothing except your own understanding.
"""

import jax, jax.numpy as jnp
import numpy as np


def setup_inputs(seed: int = 0) -> dict:
    key = jax.random.key(seed)
    k1, k2, k3 = jax.random.split(key, 3)
    target_g = jax.random.normal(k1, (1000000, 64), dtype=jnp.float32)
    original_level_h = jax.random.normal(k2, (16384, 64), dtype=jnp.float32)
    original_level_idx = jax.random.randint(k3, (16384,), 0, 1000000)
    return {
        "target_g": target_g,
        "original_level_h": original_level_h,
        "original_level_idx": original_level_idx,
    }


def reference(target_g, original_level_h, original_level_idx):
    # new_h = zeros([M, d]); new_h[idx] = original_level_h  (scatter-overwrite)
    new_h = jnp.zeros((target_g.shape[0], original_level_h.shape[1]), dtype=original_level_h.dtype)
    new_h = new_h.at[original_level_idx].set(original_level_h)
    return new_h

if __name__ == "__main__":
    import jax
    _d = setup_inputs()
    print(jax.jit(kernel)(*tuple(_d.values())))

</pallas_src>

<mosaic_0001>
#map = affine_map<(d0, d1) -> (0, 0)>
module attributes {stable_mosaic.version = 14 : i64} {
  func.func @scatter_kernel(%arg0: i32, %arg1: i32, %arg2: memref<128x128xi32, #tpu.memory_space<hbm>>, %arg3: memref<16384x128xf32, #tpu.memory_space<hbm>>, %arg4: memref<1000000x128xf32, #tpu.memory_space<hbm>>, %arg5: memref<4x128xi32, #tpu.memory_space<vmem>>, %arg6: memref<512x128xf32, #tpu.memory_space<vmem>>, %arg7: memref<!tpu.dma_semaphore, #tpu.memory_space<semaphore_mem>>) attributes {dimension_semantics = [#tpu.dimension_semantics<core_parallel>, #tpu.dimension_semantics<subcore_parallel>], iteration_bounds = array<i64: 2, 16>, scalar_prefetch = 0 : i64, scratch_operands = 3 : i64, tpu.core_type = #tpu.core_type<sc_vector_subcore>, window_params = [{transform_indices = #map}, {transform_indices = #map}, {transform_indices = #map}]} {
    %mul3A = arith.constant 2 : i32
    %mul3A_0 = arith.muli %arg1, %mul3A : i32
    %add3A = arith.addi %mul3A_0, %arg0 : i32
    %mul3A_1 = arith.constant 4 : i32
    %mul3A_2 = arith.muli %add3A, %mul3A_1 : i32
    %dma_start3A = arith.constant 0 : i32
    %dma_start3A_3 = tpu.memref_slice %arg2[%mul3A_2, %dma_start3A] : memref<128x128xi32, #tpu.memory_space<hbm>> -> memref<4x128xi32, #tpu.memory_space<hbm>>
    %dma_start3A_4 = arith.constant 0 : i32
    %dma_start3A_5 = tpu.memref_slice %arg2[%mul3A_2, %dma_start3A_4] : memref<128x128xi32, #tpu.memory_space<hbm>> -> memref<4x128xi32, #tpu.memory_space<hbm>>
    tpu.enqueue_dma source(%dma_start3A_5 : memref<4x128xi32, #tpu.memory_space<hbm>>) target(%arg5 : memref<4x128xi32, #tpu.memory_space<vmem>>) target_semaphore(%arg7 : memref<!tpu.dma_semaphore, #tpu.memory_space<semaphore_mem>>)
    %mul3A_6 = arith.constant 512 : i32
    %mul3A_7 = arith.muli %add3A, %mul3A_6 : i32
    %dma_start3A_8 = arith.constant 0 : i32
    %dma_start3A_9 = tpu.memref_slice %arg3[%mul3A_7, %dma_start3A_8] : memref<16384x128xf32, #tpu.memory_space<hbm>> -> memref<512x128xf32, #tpu.memory_space<hbm>>
    %dma_start3A_10 = arith.constant 0 : i32
    %dma_start3A_11 = tpu.memref_slice %arg3[%mul3A_7, %dma_start3A_10] : memref<16384x128xf32, #tpu.memory_space<hbm>> -> memref<512x128xf32, #tpu.memory_space<hbm>>
    tpu.enqueue_dma source(%dma_start3A_11 : memref<512x128xf32, #tpu.memory_space<hbm>>) target(%arg6 : memref<512x128xf32, #tpu.memory_space<vmem>>) target_semaphore(%arg7 : memref<!tpu.dma_semaphore, #tpu.memory_space<semaphore_mem>>)
    %dma_wait3A = arith.constant 0 : i32
    %dma_wait3A_12 = tpu.memref_slice %arg2[%mul3A_2, %dma_wait3A] : memref<128x128xi32, #tpu.memory_space<hbm>> -> memref<4x128xi32, #tpu.memory_space<hbm>>
    %dma_wait3A_13 = arith.constant 0 : i32
    %dma_wait3A_14 = tpu.memref_slice %arg2[%mul3A_2, %dma_wait3A_13] : memref<128x128xi32, #tpu.memory_space<hbm>> -> memref<4x128xi32, #tpu.memory_space<hbm>>
    tpu.wait_dma2 semaphore(%arg7 : memref<!tpu.dma_semaphore, #tpu.memory_space<semaphore_mem>>) src(%dma_wait3A_14 : memref<4x128xi32, #tpu.memory_space<hbm>>) dst(%arg5 : memref<4x128xi32, #tpu.memory_space<vmem>>)
    %dma_wait3A_15 = arith.constant 0 : i32
    %dma_wait3A_16 = tpu.memref_slice %arg3[%mul3A_7, %dma_wait3A_15] : memref<16384x128xf32, #tpu.memory_space<hbm>> -> memref<512x128xf32, #tpu.memory_space<hbm>>
    %dma_wait3A_17 = arith.constant 0 : i32
    %dma_wait3A_18 = tpu.memref_slice %arg3[%mul3A_7, %dma_wait3A_17] : memref<16384x128xf32, #tpu.memory_space<hbm>> -> memref<512x128xf32, #tpu.memory_space<hbm>>
    tpu.wait_dma2 semaphore(%arg7 : memref<!tpu.dma_semaphore, #tpu.memory_space<semaphore_mem>>) src(%dma_wait3A_18 : memref<512x128xf32, #tpu.memory_space<hbm>>) dst(%arg6 : memref<512x128xf32, #tpu.memory_space<vmem>>)
    %run_scoped3A = arith.constant 0 : i32
    "tpu.region"() ({
      %run_scoped3A_22 = tpu.sem_alloc : memref<!tpu.dma_semaphore, #tpu.memory_space<semaphore_mem>>
      %dma_start3A_23 = arith.constant 0 : i32
      %dma_start3A_24 = arith.constant 0 : i32
      %dma_start3A_25 = tpu.memref_slice %arg6[%dma_start3A_23, %dma_start3A_24] : memref<512x128xf32, #tpu.memory_space<vmem>> -> memref<128x128xf32, #tpu.memory_space<vmem>>
      %dma_start3A_26 = arith.constant 0 : i32
      %dma_start3A_27 = tpu.memref_slice %arg5[%run_scoped3A, %dma_start3A_26] : memref<4x128xi32, #tpu.memory_space<vmem>> -> memref<1x128xi32, #tpu.memory_space<vmem>>
      %dma_start3A_28 = tpu.memref_squeeze %dma_start3A_27 : memref<1x128xi32, #tpu.memory_space<vmem>> -> memref<128xi32, #tpu.memory_space<vmem>>
      %dma_start3A_29 = arith.constant 0 : i32
      %dma_start3A_30 = arith.constant 0 : i32
      %dma_start3A_31 = tpu.memref_slice %arg4[%dma_start3A_29, %dma_start3A_30] : memref<1000000x128xf32, #tpu.memory_space<hbm>> -> memref<1000000x128xf32, #tpu.memory_space<hbm>>
      tpu.enqueue_indirect_dma source(%dma_start3A_25 : memref<128x128xf32, #tpu.memory_space<vmem>>) target(%dma_start3A_31 : memref<1000000x128xf32, #tpu.memory_space<hbm>>) offsets(%dma_start3A_28 : memref<128xi32, #tpu.memory_space<vmem>>) semaphore(%run_scoped3A_22 : memref<!tpu.dma_semaphore, #tpu.memory_space<semaphore_mem>>)
      %dma_wait3A_32 = arith.constant 0 : i32
      %dma_wait3A_33 = arith.constant 0 : i32
      %dma_wait3A_34 = tpu.memref_slice %arg6[%dma_wait3A_32, %dma_wait3A_33] : memref<512x128xf32, #tpu.memory_space<vmem>> -> memref<128x128xf32, #tpu.memory_space<vmem>>
      %dma_wait3A_35 = arith.constant 0 : i32
      %dma_wait3A_36 = tpu.memref_slice %arg5[%run_scoped3A, %dma_wait3A_35] : memref<4x128xi32, #tpu.memory_space<vmem>> -> memref<1x128xi32, #tpu.memory_space<vmem>>
      %dma_wait3A_37 = tpu.memref_squeeze %dma_wait3A_36 : memref<1x128xi32, #tpu.memory_space<vmem>> -> memref<128xi32, #tpu.memory_space<vmem>>
      %dma_wait3A_38 = arith.constant 0 : i32
      %dma_wait3A_39 = arith.constant 0 : i32
      %dma_wait3A_40 = tpu.memref_slice %arg4[%dma_wait3A_38, %dma_wait3A_39] : memref<1000000x128xf32, #tpu.memory_space<hbm>> -> memref<1000000x128xf32, #tpu.memory_space<hbm>>
      tpu.wait_indirect_dma semaphore(%run_scoped3A_22 : memref<!tpu.dma_semaphore, #tpu.memory_space<semaphore_mem>>) src(%dma_wait3A_34 : memref<128x128xf32, #tpu.memory_space<vmem>>) dst(%dma_wait3A_40 : memref<1000000x128xf32, #tpu.memory_space<hbm>>)
      tpu.yield
    }) : () -> ()
    %run_scoped3A_19 = arith.constant 1 : i32
    "tpu.region"() ({
      %run_scoped3A_22 = tpu.sem_alloc : memref<!tpu.dma_semaphore, #tpu.memory_space<semaphore_mem>>
      %dma_start3A_23 = arith.constant 128 : i32
      %dma_start3A_24 = arith.constant 0 : i32
      %dma_start3A_25 = tpu.memref_slice %arg6[%dma_start3A_23, %dma_start3A_24] : memref<512x128xf32, #tpu.memory_space<vmem>> -> memref<128x128xf32, #tpu.memory_space<vmem>>
      %dma_start3A_26 = arith.constant 0 : i32
      %dma_start3A_27 = tpu.memref_slice %arg5[%run_scoped3A_19, %dma_start3A_26] : memref<4x128xi32, #tpu.memory_space<vmem>> -> memref<1x128xi32, #tpu.memory_space<vmem>>
      %dma_start3A_28 = tpu.memref_squeeze %dma_start3A_27 : memref<1x128xi32, #tpu.memory_space<vmem>> -> memref<128xi32, #tpu.memory_space<vmem>>
      %dma_start3A_29 = arith.constant 0 : i32
      %dma_start3A_30 = arith.constant 0 : i32
      %dma_start3A_31 = tpu.memref_slice %arg4[%dma_start3A_29, %dma_start3A_30] : memref<1000000x128xf32, #tpu.memory_space<hbm>> -> memref<1000000x128xf32, #tpu.memory_space<hbm>>
      tpu.enqueue_indirect_dma source(%dma_start3A_25 : memref<128x128xf32, #tpu.memory_space<vmem>>) target(%dma_start3A_31 : memref<1000000x128xf32, #tpu.memory_space<hbm>>) offsets(%dma_start3A_28 : memref<128xi32, #tpu.memory_space<vmem>>) semaphore(%run_scoped3A_22 : memref<!tpu.dma_semaphore, #tpu.memory_space<semaphore_mem>>)
      %dma_wait3A_32 = arith.constant 128 : i32
      %dma_wait3A_33 = arith.constant 0 : i32
      %dma_wait3A_34 = tpu.memref_slice %arg6[%dma_wait3A_32, %dma_wait3A_33] : memref<512x128xf32, #tpu.memory_space<vmem>> -> memref<128x128xf32, #tpu.memory_space<vmem>>
      %dma_wait3A_35 = arith.constant 0 : i32
      %dma_wait3A_36 = tpu.memref_slice %arg5[%run_scoped3A_19, %dma_wait3A_35] : memref<4x128xi32, #tpu.memory_space<vmem>> -> memref<1x128xi32, #tpu.memory_space<vmem>>
      %dma_wait3A_37 = tpu.memref_squeeze %dma_wait3A_36 : memref<1x128xi32, #tpu.memory_space<vmem>> -> memref<128xi32, #tpu.memory_space<vmem>>
      %dma_wait3A_38 = arith.constant 0 : i32
      %dma_wait3A_39 = arith.constant 0 : i32
      %dma_wait3A_40 = tpu.memref_slice %arg4[%dma_wait3A_38, %dma_wait3A_39] : memref<1000000x128xf32, #tpu.memory_space<hbm>> -> memref<1000000x128xf32, #tpu.memory_space<hbm>>
      tpu.wait_indirect_dma semaphore(%run_scoped3A_22 : memref<!tpu.dma_semaphore, #tpu.memory_space<semaphore_mem>>) src(%dma_wait3A_34 : memref<128x128xf32, #tpu.memory_space<vmem>>) dst(%dma_wait3A_40 : memref<1000000x128xf32, #tpu.memory_space<hbm>>)
      tpu.yield
    }) : () -> ()
    %run_scoped3A_20 = arith.constant 2 : i32
    "tpu.region"() ({
      %run_scoped3A_22 = tpu.sem_alloc : memref<!tpu.dma_semaphore, #tpu.memory_space<semaphore_mem>>
      %dma_start3A_23 = arith.constant 256 : i32
      %dma_start3A_24 = arith.constant 0 : i32
      %dma_start3A_25 = tpu.memref_slice %arg6[%dma_start3A_23, %dma_start3A_24] : memref<512x128xf32, #tpu.memory_space<vmem>> -> memref<128x128xf32, #tpu.memory_space<vmem>>
      %dma_start3A_26 = arith.constant 0 : i32
      %dma_start3A_27 = tpu.memref_slice %arg5[%run_scoped3A_20, %dma_start3A_26] : memref<4x128xi32, #tpu.memory_space<vmem>> -> memref<1x128xi32, #tpu.memory_space<vmem>>
      %dma_start3A_28 = tpu.memref_squeeze %dma_start3A_27 : memref<1x128xi32, #tpu.memory_space<vmem>> -> memref<128xi32, #tpu.memory_space<vmem>>
      %dma_start3A_29 = arith.constant 0 : i32
      %dma_start3A_30 = arith.constant 0 : i32
      %dma_start3A_31 = tpu.memref_slice %arg4[%dma_start3A_29, %dma_start3A_30] : memref<1000000x128xf32, #tpu.memory_space<hbm>> -> memref<1000000x128xf32, #tpu.memory_space<hbm>>
      tpu.enqueue_indirect_dma source(%dma_start3A_25 : memref<128x128xf32, #tpu.memory_space<vmem>>) target(%dma_start3A_31 : memref<1000000x128xf32, #tpu.memory_space<hbm>>) offsets(%dma_start3A_28 : memref<128xi32, #tpu.memory_space<vmem>>) semaphore(%run_scoped3A_22 : memref<!tpu.dma_semaphore, #tpu.memory_space<semaphore_mem>>)
      %dma_wait3A_32 = arith.constant 256 : i32
      %dma_wait3A_33 = arith.constant 0 : i32
      %dma_wait3A_34 = tpu.memref_slice %arg6[%dma_wait3A_32, %dma_wait3A_33] : memref<512x128xf32, #tpu.memory_space<vmem>> -> memref<128x128xf32, #tpu.memory_space<vmem>>
      %dma_wait3A_35 = arith.constant 0 : i32
      %dma_wait3A_36 = tpu.memref_slice %arg5[%run_scoped3A_20, %dma_wait3A_35] : memref<4x128xi32, #tpu.memory_space<vmem>> -> memref<1x128xi32, #tpu.memory_space<vmem>>
      %dma_wait3A_37 = tpu.memref_squeeze %dma_wait3A_36 : memref<1x128xi32, #tpu.memory_space<vmem>> -> memref<128xi32, #tpu.memory_space<vmem>>
      %dma_wait3A_38 = arith.constant 0 : i32
      %dma_wait3A_39 = arith.constant 0 : i32
      %dma_wait3A_40 = tpu.memref_slice %arg4[%dma_wait3A_38, %dma_wait3A_39] : memref<1000000x128xf32, #tpu.memory_space<hbm>> -> memref<1000000x128xf32, #tpu.memory_space<hbm>>
      tpu.wait_indirect_dma semaphore(%run_scoped3A_22 : memref<!tpu.dma_semaphore, #tpu.memory_space<semaphore_mem>>) src(%dma_wait3A_34 : memref<128x128xf32, #tpu.memory_space<vmem>>) dst(%dma_wait3A_40 : memref<1000000x128xf32, #tpu.memory_space<hbm>>)
      tpu.yield
    }) : () -> ()
    %run_scoped3A_21 = arith.constant 3 : i32
    "tpu.region"() ({
      %run_scoped3A_22 = tpu.sem_alloc : memref<!tpu.dma_semaphore, #tpu.memory_space<semaphore_mem>>
      %dma_start3A_23 = arith.constant 384 : i32
      %dma_start3A_24 = arith.constant 0 : i32
      %dma_start3A_25 = tpu.memref_slice %arg6[%dma_start3A_23, %dma_start3A_24] : memref<512x128xf32, #tpu.memory_space<vmem>> -> memref<128x128xf32, #tpu.memory_space<vmem>>
      %dma_start3A_26 = arith.constant 0 : i32
      %dma_start3A_27 = tpu.memref_slice %arg5[%run_scoped3A_21, %dma_start3A_26] : memref<4x128xi32, #tpu.memory_space<vmem>> -> memref<1x128xi32, #tpu.memory_space<vmem>>
      %dma_start3A_28 = tpu.memref_squeeze %dma_start3A_27 : memref<1x128xi32, #tpu.memory_space<vmem>> -> memref<128xi32, #tpu.memory_space<vmem>>
      %dma_start3A_29 = arith.constant 0 : i32
      %dma_start3A_30 = arith.constant 0 : i32
      %dma_start3A_31 = tpu.memref_slice %arg4[%dma_start3A_29, %dma_start3A_30] : memref<1000000x128xf32, #tpu.memory_space<hbm>> -> memref<1000000x128xf32, #tpu.memory_space<hbm>>
      tpu.enqueue_indirect_dma source(%dma_start3A_25 : memref<128x128xf32, #tpu.memory_space<vmem>>) target(%dma_start3A_31 : memref<1000000x128xf32, #tpu.memory_space<hbm>>) offsets(%dma_start3A_28 : memref<128xi32, #tpu.memory_space<vmem>>) semaphore(%run_scoped3A_22 : memref<!tpu.dma_semaphore, #tpu.memory_space<semaphore_mem>>)
      %dma_wait3A_32 = arith.constant 384 : i32
      %dma_wait3A_33 = arith.constant 0 : i32
      %dma_wait3A_34 = tpu.memref_slice %arg6[%dma_wait3A_32, %dma_wait3A_33] : memref<512x128xf32, #tpu.memory_space<vmem>> -> memref<128x128xf32, #tpu.memory_space<vmem>>
      %dma_wait3A_35 = arith.constant 0 : i32
      %dma_wait3A_36 = tpu.memref_slice %arg5[%run_scoped3A_21, %dma_wait3A_35] : memref<4x128xi32, #tpu.memory_space<vmem>> -> memref<1x128xi32, #tpu.memory_space<vmem>>
      %dma_wait3A_37 = tpu.memref_squeeze %dma_wait3A_36 : memref<1x128xi32, #tpu.memory_space<vmem>> -> memref<128xi32, #tpu.memory_space<vmem>>
      %dma_wait3A_38 = arith.constant 0 : i32
      %dma_wait3A_39 = arith.constant 0 : i32
      %dma_wait3A_40 = tpu.memref_slice %arg4[%dma_wait3A_38, %dma_wait3A_39] : memref<1000000x128xf32, #tpu.memory_space<hbm>> -> memref<1000000x128xf32, #tpu.memory_space<hbm>>
      tpu.wait_indirect_dma semaphore(%run_scoped3A_22 : memref<!tpu.dma_semaphore, #tpu.memory_space<semaphore_mem>>) src(%dma_wait3A_34 : memref<128x128xf32, #tpu.memory_space<vmem>>) dst(%dma_wait3A_40 : memref<1000000x128xf32, #tpu.memory_space<hbm>>)
      tpu.yield
    }) : () -> ()
    return
  }
}

module attributes {stable_mosaic.version = 14 : i64} {
  func.func @_tr_body(%arg0: i32, %arg1: memref<16384x128xf32, #tpu.memory_space<vmem>>, %arg2: memref<16384xi32, #tpu.memory_space<vmem>>, %arg3: memref<64x16384xf32, #tpu.memory_space<vmem>>) attributes {dimension_semantics = [#tpu.dimension_semantics<arbitrary>], iteration_bounds = array<i64: 62>, scalar_prefetch = 0 : i64, scratch_operands = 0 : i64, tpu.core_type = #tpu.core_type<tc>, window_params = [{transform_indices = @transform_0, window_bounds = array<i64: 16384, 128>}, {transform_indices = @transform_1, window_bounds = array<i64: 16384>}, {transform_indices = @transform_2, window_bounds = array<i64: 64, 16384>}]} {
    %get3A = arith.constant 0 : index
    %get3A_0 = arith.constant 0 : index
    %get3A_1 = vector.load %arg1[%get3A, %get3A_0] : memref<16384x128xf32, #tpu.memory_space<vmem>>, vector<16384x128xf32>
    %slice3A = vector.extract_strided_slice %get3A_1 {offsets = [0, 0], sizes = [16384, 64], strides = [1, 1]} : vector<16384x128xf32> to vector<16384x64xf32>
    %transpose3A = tpu.transpose %slice3A, [1, 0] : vector<16384x64xf32> -> vector<64x16384xf32>
    %get3A_2 = arith.constant 0 : index
    %get3A_3 = vector.load %arg2[%get3A_2] : memref<16384xi32, #tpu.memory_space<vmem>>, vector<16384xi32>
    %gt3A = arith.constant 0 : i32
    %gt3A_4 = vector.broadcast %gt3A : i32 to vector<16384xi32>
    %gt3A_5 = arith.cmpi sgt, %get3A_3, %gt3A_4 : vector<16384xi32>
    %broadcast_in_dim3A = vector.shape_cast %gt3A_5 : vector<16384xi1> to vector<1x16384xi1>
    %jit3A = arith.constant 0.000000e+00 : f32
    %broadcast_in_dim3A_6 = vector.shape_cast %broadcast_in_dim3A : vector<1x16384xi1> to vector<1x16384xi1>
    %broadcast_in_dim3A_7 = vector.broadcast %broadcast_in_dim3A_6 : vector<1x16384xi1> to vector<64x16384xi1>
    %broadcast_in_dim3A_8 = vector.broadcast %jit3A : f32 to vector<64x16384xf32>
    %select_n3A = arith.select %broadcast_in_dim3A_7, %transpose3A, %broadcast_in_dim3A_8 : vector<64x16384xi1>, vector<64x16384xf32>
    %swap3A = arith.constant 0 : index
    %swap3A_9 = arith.constant 0 : index
    %swap3A_10 = vector.load %arg3[%swap3A, %swap3A_9] : memref<64x16384xf32, #tpu.memory_space<vmem>>, vector<64x16384xf32>
    tpu.vector_store %arg3[%swap3A, %swap3A_9], %select_n3A {strides = array<i32>} : memref<64x16384xf32, #tpu.memory_space<vmem>>, vector<64x16384xf32>,
    return
  }
  func.func @transform_0(%arg0: i32) -> (i32, i32) {
    %c0_i32 = arith.constant 0 : i32
    %c0_i32_0 = arith.constant 0 : i32
    return %arg0, %c0_i32 : i32, i32
  }
  func.func @transform_1(%arg0: i32) -> i32 {
    %c0_i32 = arith.constant 0 : i32
    return %arg0 : i32
  }
  func.func @transform_2(%arg0: i32) -> (i32, i32) {
    %c0_i32 = arith.constant 0 : i32
    %c0_i32_0 = arith.constant 0 : i32
    return %c0_i32, %arg0 : i32, i32
  }
}

</mosaic_0001>

<sc_bundles>
// kernel: gather_offload_async_start.1
scs
__scs_entry_jumppad:
0x0: {  	(pc) =	sbr.rel $0x88, $3  }
0x1: {  	(tag) =	ssettag $0x0;
	lr =	simm.s32 $0x1  }
0x2: {  	[smem:$0x3F9F] =	sst lr;
	_ =	strace $0xD0000000  }
0x3: {  	_ = 	snop  }
0x4: {  	_ = 	snop  }
0x5: {  	_ = 	snop  }
0x6: {  	_ = 	snop  }
0x7: {  	_ = 	snop  }
__scs_overlays_trampoline_lowered:
0x8: {  	[smem:$0x3FAE] =	sst s0  }
0x9: {  	[smem:$0x3FAF] =	sst s1  }
0xa: {  	[smem:$0x3FB0] =	sst s2  }
0xb: {  	[smem:$0x3FB1] =	sst s3  }
0xc: {  	[smem:$0x3FB2] =	sst s4  }
0xd: {  	[smem:$0x3FB3] =	sst s5  }
0xe: {  	[smem:$0x3FB4] =	sst s6  }
0xf: {  	[smem:$0x3FB5] =	sst s7  }
0x10: {  	[smem:$0x3FB6] =	sst s8  }
0x11: {  	[smem:$0x3FB7] =	sst s9;
	s0 =	simm.s32 @!p0 $0x0  }
0x12: {  	s1 =	sld [smem:$0x3F9D];
	s0 =	simm.s32 @p0 $0x1  }
0x13: {  	[smem:$0x3FB8] =	sst s0;
	s0 =	simm.s32 @!p1 $0x0  }
0x14: {  	s2 =	sld [smem:$0x3F9C];
	s0 =	simm.s32 @p1 $0x1  }
0x15: {  	[smem:$0x3FB9] =	sst s0;
	s0 =	simm.s32 @!p2 $0x0  }
0x16: {  	s3 =	sld [smem:$0x3FDB];
	s0 =	simm.s32 @p2 $0x1  }
0x17: {  	s4 =	simm.s32 $0x1BF5;
	[smem:$0x3FBB] =	sst s0  }
0x18: {  	s0 =	sld [smem:$0x3F9E];
	_ =	swait.ge [sflag:s4], $0x0  }
0x19: {  	s7 =	sld [smem:$0x3F9F]  }
0x1a: {  	s8 =	sadd.s32 $0xFFFFE003, lr  }
0x1b: {  	s9 =	sadd.s32 $0xFFFFFEF7, lr;
	s5 =	simm.s32 $0xFFFFFFFF;
	p2 =	slt.u32 s8, $0xFFFFF086  }
0x1c: {  	p1 =	slt.u32 s9, $0xF7A;
	s5 =	simm.s32 @!p2 $0x0  }
0x1d: {  	s5 =	simm.s32 @p1 $0x1;
	p0 =	seq.s32 s7, s2  }
0x1e: {  	s7 =	smul.u32 @!p0 $0xF7A, s2;
	p2 =	seq.s32 @!p0 s5, $0x0  }
0x1f: {  	s9 =	smul.u32 $0xF7A, s1;
	s8 =	simm.s32 @!p0 $0x1BF5;
	p2 =	por !p2, p0  }
0x20: {  	[sflag:s8] =	ssyncset.s32 @!p0 $0xFFFFF086;
	s6 =	sadd.s32 @!p0 s3, s7;
	s7 =	simm.s32 @!p0 $0x108  }
0x21: {  	s3 =	sadd.s32 s3, s9;
	s6 =	sadd.s32 @!p0 $0x88, s6;
	s7 =	simm.s32 @p2 $0x1082  }
0x22: {  	[simem:s7], [sflag:s8] =	dma.local @!p0 [hbm:s6], $0xF7A  }
0x23: {  	s9 =	sor.u32 $0xD0000000, s2;
	s6 =	simm.s32 $0x108;
	_ =	swait.ge @!p0 [sflag:s8], $0x0  }
0x24: {  	s3 =	sadd.s32 $0x88, s3;
	s6 =	simm.s32 @!p1 $0x1082;
	[sflag:s4] =	ssyncset.s32 $0xFFFFF086  }
0x25: {  	[simem:s6], [sflag:s4] =	dma.local [hbm:s3], $0xF7A  }
0x26: {  	[smem:$0x3F9F] =	sst s1;
	(tag) =	ssettag s2;
	_ =	strace s9  }
0x27: {  	s1 =	sld [smem:$0x3FAF]  }
0x28: {  	s2 =	sld [smem:$0x3FB0]  }
0x29: {  	s4 =	sld [smem:$0x3FB2]  }
0x2a: {  	p0 =	seq.s32 s5, $0x0;
	s5 =	sld [smem:$0x3FB3]  }
0x2b: {  	s6 =	sld [smem:$0x3FB4]  }
0x2c: {  	s7 =	sld [smem:$0x3FB5]  }
0x2d: {  	s3 =	simm.s32 $0x108;
	s8 =	sld [smem:$0x3FB6]  }
0x2e: {  	s3 =	simm.s32 @!p0 $0x1082;
	s9 =	sld [smem:$0x3FB7]  }
0x2f: {  	lr =	sadd.s32 s0, s3;
	s0 =	sld [smem:$0x3FAE]  }
0x30: {  	s3 =	sld [smem:$0x3FB1]  }
0x31: {  	[smem:$0x3FBA] =	sst s10  }
0x32: {  	s10 =	sld [smem:$0x3FB8];
	_ =	sdelay $0x3  }
0x33: {  	p0 =	seq.s32 s10, $0x1;
	s10 =	sld [smem:$0x3FBA];
	_ =	sdelay $0x3  }
0x34: {  	[smem:$0x3FBA] =	sst s10  }
0x35: {  	s10 =	sld [smem:$0x3FB9];
	_ =	sdelay $0x3  }
0x36: {  	p1 =	seq.s32 s10, $0x1;
	s10 =	sld [smem:$0x3FBA];
	_ =	sdelay $0x3  }
0x37: {  	[smem:$0x3FBA] =	sst s10  }
0x38: {  	s10 =	sld [smem:$0x3FBB]  }
0x39: {  	_ = 	snop;
	(pc) =	sbr.ind lr, $3  }
0x3a: {  	_ = 	snop  }
0x3b: {  	_ = 	snop  }
0x3c: {  	p2 =	seq.s32 s10, $0x1;
	s10 =	sld [smem:$0x3FBA]  }
0x3d: {  	_ =	shalt  }
0x3e: {  	_ =	shalt  }
0x3f: {  	_ =	shalt  }
0x40: {  	_ =	shalt  }
0x41: {  	_ =	shalt  }
0x42: {  	_ =	shalt  }
0x43: {  	_ =	shalt  }
0x44: {  	_ =	shalt  }
0x45: {  	_ =	shalt  }
0x46: {  	_ =	shalt  }
0x47: {  	_ =	shalt  }
0x48: {  	_ =	shalt  }
0x49: {  	_ =	shalt  }
0x4a: {  	_ =	shalt  }
0x4b: {  	_ =	shalt  }
0x4c: {  	_ =	shalt  }
0x4d: {  	_ =	shalt  }
0x4e: {  	_ =	shalt  }
0x4f: {  	_ =	shalt  }
0x50: {  	_ =	shalt  }
0x51: {  	_ =	shalt  }
0x52: {  	_ =	shalt  }
0x53: {  	_ =	shalt  }
0x54: {  	_ =	shalt  }
0x55: {  	_ =	shalt  }
0x56: {  	_ =	shalt  }
0x57: {  	_ =	shalt  }
0x58: {  	_ =	shalt  }
0x59: {  	_ =	shalt  }
0x5a: {  	_ =	shalt  }
0x5b: {  	_ =	shalt  }
0x5c: {  	_ =	shalt  }
0x5d: {  	_ =	shalt  }
0x5e: {  	_ =	shalt  }
0x5f: {  	_ =	shalt  }
0x60: {  	_ =	shalt  }
0x61: {  	_ =	shalt  }
0x62: {  	_ =	shalt  }
0x63: {  	_ =	shalt  }
0x64: {  	_ =	shalt  }
0x65: {  	_ =	shalt  }
0x66: {  	_ =	shalt  }
0x67: {  	_ =	shalt  }
0x68: {  	_ =	shalt  }
0x69: {  	_ =	shalt  }
0x6a: {  	_ =	shalt  }
0x6b: {  	_ =	shalt  }
0x6c: {  	_ =	shalt  }
0x6d: {  	_ =	shalt  }
0x6e: {  	_ =	shalt  }
0x6f: {  	_ =	shalt  }
0x70: {  	_ =	shalt  }
0x71: {  	_ =	shalt  }
0x72: {  	_ =	shalt  }
0x73: {  	_ =	shalt  }
0x74: {  	_ =	shalt  }
0x75: {  	_ =	shalt  }
0x76: {  	_ =	shalt  }
0x77: {  	_ =	shalt  }
0x78: {  	_ =	shalt  }
0x79: {  	_ =	shalt  }
0x7a: {  	_ =	shalt  }
0x7b: {  	_ =	shalt  }
0x7c: {  	_ =	shalt  }
0x7d: {  	_ =	shalt  }
0x7e: {  	_ =	shalt  }
0x7f: {  	_ =	shalt  }
0x80: {  	_ =	shalt  }
0x81: {  	_ =	shalt  }
0x82: {  	_ =	shalt  }
0x83: {  	_ =	shalt  }
0x84: {  	_ =	shalt  }
0x85: {  	_ =	shalt  }
0x86: {  	_ =	shalt  }
0x87: {  	_ =	shalt  }
.Lfunc_end0:
.L_simem_size_0:
called_computation.2_lowered:
.L_overlay_start_0:
0x88: {  	s2 =	sld [smem:$0x3FD9]  }
0x89: {  	s3 =	sld [smem:$0x3FFE];
	_ =	sdelay $0x1  }
0x8a: {  	s1 =	srdreg.scid  }
0x8b: {  	s0 =	sand.u32 $0x1, s1  }
0x8c: {  	s17 =	sshll.u32 s0, $0xA;
	s2 =	sadd.s32 s3, s2  }
0x8d: {  	s2 =	sadd.s32 s2, s17  }
0x8e: {  	[smem:$0x3FC6] =	sst s2  }
0x8f: {  	_ = 	snop  }
0x90: {  	s2 =	sld [smem:$0x3FD0];
	(tm) =	ssettm $0x1  }
0x91: {  	s18 =	sld [smem:$0x3FFB];
	_ =	sdelay $0x3  }
0x92: {  	_ =	strace s18  }
0x93: {  	s3 =	sld [smem:$0x3FFC];
	_ =	sdelay $0x3  }
0x94: {  	_ =	strace s3  }
0x95: {  	s3 =	sld [smem:$0x3FFD];
	_ =	sdelay $0x3  }
0x96: {  	_ =	strace s3  }
0x97: {  	_ =	strace $0x8FFFFFFF  }
0x98: {  	s19 =	sld [smem:$0x3FDB];
	_ =	sdelay $0x1  }
0x99: {  	s4 =	simm.s32 $_scs_section_size  }
0x9a: {  	s5 =	simm.s32 $_size__tile_overlayer_lowered;
	s6 =	simm.s32 $_tile_overlayer_lowered  }
0x9b: {  	s22 =	simm.s32 $0x1BFF;
	s21 =	sshll.u32 s6, $0x1;
	s3 =	sadd.s32 s4, s19  }
0x9c: {  	s7 =	simm.s32 $0x0;
	s20 =	sshll.u32 s5, $0x1;
	s5 =	sadd.s32 s21, s3  }
0x9d: {  	[timem:s7], [sflag:s22] =	dma.local [hbm:s5], s20  }
0x9e: {  	_ =	swait.ge [sflag:s22], s20  }
0x9f: {  	s4 =	ssub.s32 $0x0, s20;
	[sflag:s22] =	ssyncset.done $0x0  }
0xa0: {  	[sflag:s22] =	ssyncadd.s32 s4;
	_ =	sdelay $0x1  }
0xa1: {  	s23 =	simm.s32 $0x1B8B  }
0xa2: {  	_ =	swait.ge [sflag:s23], $0x1  }
0xa3: {  	[sflag:s23] =	ssyncset.done $0x0  }
0xa4: {  	s25 =	simm.s32 $0x1B8E;
	s24 =	sld [smem:$0x3FFE];
	[sflag:s23] =	ssyncadd.s32 $0xFFFFFFFF  }
0xa5: {  	s26 =	simm.s32 $execute0_lowered;
	[smem:$0x3FD2] =	sst s25  }
0xa6: {  	s5 =	sshll.u32 s26, $0x1;
	_ =	strace $0x8000004C;
	[dreg:$0x1] =	wrdreg $0xFFFFFFFF  }
0xa7: {  	s28 =	simm.s32 $_size_execute0_lowered;
	s3 =	sadd.s32 s3, s5;
	[dreg:$0x0] =	wrdreg $0x0  }
0xa8: {  	s5 =	sshll.u32 s28, $0x1;
	[dreg:$0x2] =	wrdreg s3  }
0xa9: {  	[dreg:$0x3] =	wrdreg s5  }
0xaa: {  	[dreg:$0x4] =	wrdreg $0xC0  }
0xab: {  	_ =	task [dreg:s7], $0x5FFFF  }
0xac: {  	[dreg:$0x1] =	wrdreg $0xFFFFFFFF  }
0xad: {  	[dreg:$0x0] =	wrdreg $0x60  }
0xae: {  	[dreg:$0x2] =	wrdreg s2  }
0xaf: {  	[dreg:$0x3] =	wrdreg s24  }
0xb0: {  	[dreg:$0x4] =	wrdreg $0x9  }
0xb1: {  	_ =	task.clear_ibuf [dreg:s7], $0x5FFFF;
	_ =	strace $0x9000004C  }
0xb2: {  	s29 =	simm.s32 $0x9;
	_ =	strace $0x8000004E  }
0xb3: {  	_ =	swait.ge [sflag:s29], $0x1  }
0xb4: {  	[sflag:s29] =	ssyncadd.s32 $0xFFFFFFFF  }
0xb5: {  	_ =	strace $0x9000004E  }
0xb6: {  	_ =	sfence  }
0xb7: {  	s30 =	sld [smem:$0x0];
	_ =	sdelay $0x2  }
0xb8: {  	s31 =	sshll.u32 s1, $0xD;
	s1 =	sshrl.u32 s1, $0x2  }
0xb9: {  	s3 =	sand.u32 $0x4000, s31;
	s1 =	sadd.s32 s1, s30  }
0xba: {  	s0 =	sor.u32 s3, s0;
	s1 =	sshll.u32 s1, $0x11  }
0xbb: {  	s0 =	sor.u32 s1, s0  }
0xbc: {  	s0 =	sadd.s32 $0x8F2B, s0  }
0xbd: {  	[sflag:s0] =	ssyncadd.remote.s32 $0x1  }
0xbe: {  	_ =	sfence.sel $0xFFFF  }
0xbf: {  	[dreg:$0x0] =	wrdreg $0xFFFFFFFF;
	(pc) =	sbr.abs _section_cstart, $3  }
0xc0: {  	[dreg:$0x1] =	wrdreg $0xFFFFFFFF  }
0xc1: {  	_ =	task.clear_ibuf [dreg:s7], $0x2FFFF;
	_ =	strace $0x9FFFFFFF  }
0xc2: {  	(tm) =	ssettm $0x7FFFFFFF  }
0xc3: {  	_ =	shalt  }
tec
execute0_lowered:
.L_overlay_start_1:
0x0: {  	(tag) =	ssettag $0x1  }
0x1: {  	s2 =	rddreg [dreg:$0x0]  }
0x2: {  	s7 =	rddreg [dreg:$0x1]  }
0x3: {  	s0 =	rddreg [dreg:$0x2]  }
0x4: {  	s1 =	srdreg.scid;
	_ =	strace $0x8000004D;
	s4 =	simm.s32 $0x1  }
0x5: {  	s9 =	simm.s32 $0x3;
	s11 =	simm.s32 $0x0;
	s5 =	sshll.u32 s1, $0x4  }
.Ltmp0:
0x6: {  	s1 =	stileid.u32;
	s5 =	sand.u32 $0x10, s5;
	(pc) =	sbr.rel .LBB2_1-.Ltmp0, $4  }
0x7: {  	p0 =	por $0x0, $0x0;
	s3 =	sadd.s32 $0xC00, s7;
	s6 =	sor.u32 s1, s5  }
0x8: {  	[sflag:s4] =	ssyncpa.u1 $0x0;
	s5 =	simm.s32 $0x2;
	s6 =	sshll.u32 s6, $0x9  }
0x9: {  	s7 =	sadd.s32 $0x20E00, s7;
	[sflag:s5] =	ssyncpa.u1 $0x0;
	s8 =	sadd.s32 $0x200, s6  }
0xa: {  	vm0 =	vmmov $0xff;
	vm1 =	vcmask $0x3F20;
	[sflag:s9] =	ssyncpa.u1 $0x0;
	s10 =	smov.u32 s6;
	s9 =	simm.s32 $0x0  }
.LBB2_7:
0xb: {  	p1 =	slt.u32 s9, $0x2;
	s11 =	sadd.s32 $0x100, s10  }
0xc: {  	s13 =	smov.u32 s6;
	s9 =	sadd.s32 $0x1, s9;
	p2 =	slt.s32 s11, s8  }
0xd: {  	s13 =	smov.u32 @p2 s11;
	p2 =	sne.s32 s9, $0x4  }
.Ltmp1:
0xe: {  	_ = 	snop;
	(pc) =	sbr.rel @!p2 .LBB2_8-.Ltmp1, $4  }
0xf: {  	s12 =	simm.s32 @!p1 $0x3  }
0x10: {  	_ =	swait.ge @!p1 [sflag:s12], $0x8000  }
0x11: {  	p0 =	por !p0, !p0;
	[sflag:s12] =	ssyncset.done @!p1 $0x0  }
0x12: {  	s11 =	smov.u32 s10;
	s10 =	smov.u32 s13;
	[sflag:s12] =	ssyncadd.s32 @!p1 $0xFFFF8000  }
.LBB2_1:
0x13: {  	p1 =	sgt.u32 s9, $0x1  }
0x14: {  	s12 =	sshll.u32 @!p1 s9, $0x8;
	s13 =	sshrl.u32 @!p1 s10, $0x3  }
0x15: {  	s14 =	sand.u32 @!p1 $0x7, s10;
	s12 =	sxor.u32 @!p1 $0x100, s12;
	s13 =	sadd.s32 @!p1 s3, s13  }
0x16: {  	[tilespmem:s12], [sflag:$0x2] =	stream.linear.gather @!p1 [hbm4b:s13+s14], $0x100, $0x38;
	[tilespmem:$0x10200] =	vst v63  }
0x17: {  	p1 =	seq.s32 s9, $0x0  }
0x18: {  	p2 =	seq.s32 @!p1 s9, $0x3  }
0x19: {  	p1 =	por p1, p2  }
.Ltmp2:
0x1a: {  	_ = 	snop;
	(pc) =	sbr.rel @p1 .LBB2_7-.Ltmp2, $1  }
0x1b: {  	_ =	sdelay $0x3  }
0x1c: {  	s12 =	simm.s32 $0x1  }
0x1d: {  	_ =	swait.ge [sflag:s5], $0x100;
	s12 =	simm.s32 @!p0 $0x0  }
0x1e: {  	[sflag:s5] =	ssyncset.done $0x0;
	s14 =	sshll.u32 s12, $0x8  }
0x1f: {  	[sflag:s5] =	ssyncadd.s32 $0xFFFFFF00;
	s13 =	sadd.s32 $0x0, s14  }
0x20: {  	v0 =	vld.msk [tilespmem:s13+$0x0 ss:$0x1], $0xffff;
	_ =	sdelay $0x4  }
0x21: {  	vm2 =	vgt.s32 v0, $0x0  }
0x22: {  	v0 =	vnsel vm2, $0x0, v0  }
0x23: {  	v0 =	vmin.u32 v0, $0x3FFF  }
0x24: {  	v0 =	vshll.u32 v0, $0x4;
	_ =	sdelay $0x2  }
0x25: {  	s12 =	sshll.u32 s12, $0xF  }
0x26: {  	s12 =	sor.u32 $0x200, s12  }
0x27: {  	[tilespmem:s12], [sflag:$0x1] =	stream.indirect_vreg.gather [hbm:s2], $0x80, v0, vm0, $0x38;
	[tilespmem:$0x10200] =	vst v63  }
0x28: {  	s15 =	sadd.s32 $0x10, s14;
	s13 =	sadd.s32 $0x400, s12  }
0x29: {  	[tilespmem:s13], [sflag:$0x1] =	stream.indirect_vreg.gather [hbm:s2], $0x80, v0, vm1, $0x38;
	[tilespmem:$0x10200] =	vst v63  }
0x2a: {  	s16 =	simm.s32 $0x80;
	v0 =	vld.msk [tilespmem:s15+$0x0 ss:$0x1], $0xffff;
	s15 =	smov.u32 s12  }
.LBB2_3:
0x2b: {  	p1 =	sne.s32 s16, $0x3C0;
	_ =	sdelay $0x4  }
0x2c: {  	vm2 =	vgt.s32 v0, $0x0  }
0x2d: {  	v0 =	vnsel vm2, $0x0, v0  }
0x2e: {  	v0 =	vmin.u32 v0, $0x3FFF  }
0x2f: {  	v0 =	vshll.u32 v0, $0x4;
	_ =	sdelay $0x3  }
.Ltmp3:
0x30: {  	s17 =	sshra.s32 s16, $0x2;
	s15 =	sadd.s32 $0x800, s15;
	(pc) =	sbr.rel @p1 .LBB2_3-.Ltmp3, $4  }
0x31: {  	[tilespmem:s15], [sflag:$0x1] =	stream.indirect_vreg.gather [hbm:s2], $0x80, v0, vm0, $0x38;
	[tilespmem:$0x10200] =	vst v63  }
0x32: {  	s17 =	sadd.s32 s17, s14;
	s18 =	sadd.s32 $0x400, s15  }
0x33: {  	[tilespmem:s18], [sflag:$0x1] =	stream.indirect_vreg.gather [hbm:s2], $0x80, v0, vm1, $0x38;
	[tilespmem:$0x10200] =	vst v63  }
0x34: {  	s16 =	sadd.s32 $0x40, s16;
	v0 =	vld.msk [tilespmem:s17+$0x0 ss:$0x1], $0xffff  }
0x35: {  	_ =	sdelay $0x3  }
0x36: {  	vm2 =	vgt.s32 v0, $0x0  }
0x37: {  	v0 =	vnsel vm2, $0x0, v0  }
0x38: {  	v0 =	vmin.u32 v0, $0x3FFF  }
0x39: {  	v0 =	vshll.u32 v0, $0x4;
	_ =	sdelay $0x3  }
0x3a: {  	s14 =	sadd.s32 $0x800, s15  }
0x3b: {  	[tilespmem:s14], [sflag:$0x1] =	stream.indirect_vreg.gather [hbm:s2], $0x80, v0, vm0, $0x38;
	[tilespmem:$0x10200] =	vst v63  }
0x3c: {  	s14 =	sadd.s32 $0x400, s14  }
0x3d: {  	[tilespmem:s14], [sflag:$0x1] =	stream.indirect_vreg.gather [hbm:s2], $0x80, v0, vm1, $0x38;
	[tilespmem:$0x10200] =	vst v63  }
0x3e: {  	s11 =	sshll.u32 s11, $0x4;
	_ =	swait.ge [sflag:s4], $0x8000  }
0x3f: {  	s11 =	sadd.s32 s11, s7;
	[sflag:s4] =	ssyncset.done $0x0  }
0x40: {  	s15 =	sadd.s32 $0x0, s11;
	s14 =	simm.s32 $0x80;
	[sflag:s4] =	ssyncadd.s32 $0xFFFF8000  }
.LBB2_5:
0x41: {  	[hbm:s15] =	stream.linear.scatter [tilespmem:s12], [sflag:$0x3], $0x400, $0x38;
	[tilespmem:$0x10200] =	vst v63  }
0x42: {  	s15 =	smov.u32 s14;
	s12 =	smov.u32 s13;
	p1 =	sne.s32 s14, $0xF80  }
.Ltmp4:
0x43: {  	s14 =	sadd.s32 $0x80, s14;
	(pc) =	sbr.rel @p1 .LBB2_5-.Ltmp4, $2  }
0x44: {  	_ =	sdelay $0x2  }
0x45: {  	s13 =	sadd.s32 $0x400, s13;
	s15 =	sadd.s32 s15, s11  }
.Ltmp5:
0x46: {  	(pc) =	sbr.rel .LBB2_7-.Ltmp5, $2  }
0x47: {  	_ =	sdelay $0x2  }
0x48: {  	[hbm:s15] =	stream.linear.scatter [tilespmem:s12], [sflag:$0x3], $0x400, $0x38;
	[tilespmem:$0x10200] =	vst v63  }
.LBB2_8:
0x49: {  	_ =	sfence.sel $0x180000  }
0x4a: {  	s2 =	simm.s32 $0x2;
	[bflag:$0x0] =	sbarrier.arrive $0xFFFF  }
0x4b: {  	s30 =	simm.s32 $0x3;
	[sflag:s2] =	ssyncpa.u1 $0x1  }
0x4c: {  	s31 =	simm.s32 $0x1;
	[sflag:s30] =	ssyncpa.u1 $0x1  }
0x4d: {  	[sflag:s31] =	ssyncpa.u1 $0x1  }
0x4e: {  	p0 =	sne.s32 s1, $0x0;
	_ =	strace $0x9000004D  }
0x4f: {  	s0 =	sadd.s32 @!p0 $0x100000, s0;
	[bflag:$0x2] =	sbarrier.arrive $0xFFFF  }
0x50: {  	[sflag:s0] =	ssyncadd.tile.s32 @!p0 $0x1;
	_ =	shalt  }
.Lfunc_end2:
_tile_overlayer_lowered:
.L_overlay_start_2:
0x51: {  	(tag) =	ssettag $0x2  }
0x52: {  	s0 =	rddreg [dreg:$0x0];
	s2 =	stileid.u32  }
0x53: {  	s1 =	rddreg [dreg:$0x1];
	p0 =	sne.s32 s2, $0x0  }
0x54: {  	s3 =	rddreg [dreg:$0x2];
	[bflag:$0x3] =	sbarrier.arrive $0xFFFF;
	s2 =	simm.s32 @!p0 $0x1C01  }
0x55: {  	[timem:s3], [sflag:s2] =	dma.local @!p0 [hbm:s0], s1  }
0x56: {  	s0 =	simm.s32 @!p0 $0x1  }
0x57: {  	_ =	swait.ge @!p0 [sflag:s0], s1  }
0x58: {  	s1 =	ssub.s32 @!p0 $0x0, s1;
	[sflag:s0] =	ssyncset.done @!p0 $0x0  }
0x59: {  	[sflag:s0] =	ssyncadd.s32 @!p0 s1  }
0x5a: {  	[bflag:$0x3] =	sbarrier.arrive $0xFFFF  }
0x5b: {  	_ =	shalt  }

// kernel: gather_offload_async_start
scs
__scs_entry_jumppad:
0x0: {  	(pc) =	sbr.rel $0x88, $3  }
0x1: {  	(tag) =	ssettag $0x0;
	lr =	simm.s32 $0x1  }
0x2: {  	[smem:$0x3F9F] =	sst lr;
	_ =	strace $0xD0000000  }
0x3: {  	_ = 	snop  }
0x4: {  	_ = 	snop  }
0x5: {  	_ = 	snop  }
0x6: {  	_ = 	snop  }
0x7: {  	_ = 	snop  }
__scs_overlays_trampoline_lowered:
0x8: {  	[smem:$0x3FAE] =	sst s0  }
0x9: {  	[smem:$0x3FAF] =	sst s1  }
0xa: {  	[smem:$0x3FB0] =	sst s2  }
0xb: {  	[smem:$0x3FB1] =	sst s3  }
0xc: {  	[smem:$0x3FB2] =	sst s4  }
0xd: {  	[smem:$0x3FB3] =	sst s5  }
0xe: {  	[smem:$0x3FB4] =	sst s6  }
0xf: {  	[smem:$0x3FB5] =	sst s7  }
0x10: {  	[smem:$0x3FB6] =	sst s8  }
0x11: {  	[smem:$0x3FB7] =	sst s9;
	s0 =	simm.s32 @!p0 $0x0  }
0x12: {  	s1 =	sld [smem:$0x3F9D];
	s0 =	simm.s32 @p0 $0x1  }
0x13: {  	[smem:$0x3FB8] =	sst s0;
	s0 =	simm.s32 @!p1 $0x0  }
0x14: {  	s2 =	sld [smem:$0x3F9C];
	s0 =	simm.s32 @p1 $0x1  }
0x15: {  	[smem:$0x3FB9] =	sst s0;
	s0 =	simm.s32 @!p2 $0x0  }
0x16: {  	s3 =	sld [smem:$0x3FDB];
	s0 =	simm.s32 @p2 $0x1  }
0x17: {  	s4 =	simm.s32 $0x1BF5;
	[smem:$0x3FBB] =	sst s0  }
0x18: {  	s0 =	sld [smem:$0x3F9E];
	_ =	swait.ge [sflag:s4], $0x0  }
0x19: {  	s7 =	sld [smem:$0x3F9F]  }
0x1a: {  	s8 =	sadd.s32 $0xFFFFE003, lr  }
0x1b: {  	s9 =	sadd.s32 $0xFFFFFEF7, lr;
	s5 =	simm.s32 $0xFFFFFFFF;
	p2 =	slt.u32 s8, $0xFFFFF086  }
0x1c: {  	p1 =	slt.u32 s9, $0xF7A;
	s5 =	simm.s32 @!p2 $0x0  }
0x1d: {  	s5 =	simm.s32 @p1 $0x1;
	p0 =	seq.s32 s7, s2  }
0x1e: {  	s7 =	smul.u32 @!p0 $0xF7A, s2;
	p2 =	seq.s32 @!p0 s5, $0x0  }
0x1f: {  	s9 =	smul.u32 $0xF7A, s1;
	s8 =	simm.s32 @!p0 $0x1BF5;
	p2 =	por !p2, p0  }
0x20: {  	[sflag:s8] =	ssyncset.s32 @!p0 $0xFFFFF086;
	s6 =	sadd.s32 @!p0 s3, s7;
	s7 =	simm.s32 @!p0 $0x108  }
0x21: {  	s3 =	sadd.s32 s3, s9;
	s6 =	sadd.s32 @!p0 $0x88, s6;
	s7 =	simm.s32 @p2 $0x1082  }
0x22: {  	[simem:s7], [sflag:s8] =	dma.local @!p0 [hbm:s6], $0xF7A  }
0x23: {  	s9 =	sor.u32 $0xD0000000, s2;
	s6 =	simm.s32 $0x108;
	_ =	swait.ge @!p0 [sflag:s8], $0x0  }
0x24: {  	s3 =	sadd.s32 $0x88, s3;
	s6 =	simm.s32 @!p1 $0x1082;
	[sflag:s4] =	ssyncset.s32 $0xFFFFF086  }
0x25: {  	[simem:s6], [sflag:s4] =	dma.local [hbm:s3], $0xF7A  }
0x26: {  	[smem:$0x3F9F] =	sst s1;
	(tag) =	ssettag s2;
	_ =	strace s9  }
0x27: {  	s1 =	sld [smem:$0x3FAF]  }
0x28: {  	s2 =	sld [smem:$0x3FB0]  }
0x29: {  	s4 =	sld [smem:$0x3FB2]  }
0x2a: {  	p0 =	seq.s32 s5, $0x0;
	s5 =	sld [smem:$0x3FB3]  }
0x2b: {  	s6 =	sld [smem:$0x3FB4]  }
0x2c: {  	s7 =	sld [smem:$0x3FB5]  }
0x2d: {  	s3 =	simm.s32 $0x108;
	s8 =	sld [smem:$0x3FB6]  }
0x2e: {  	s3 =	simm.s32 @!p0 $0x1082;
	s9 =	sld [smem:$0x3FB7]  }
0x2f: {  	lr =	sadd.s32 s0, s3;
	s0 =	sld [smem:$0x3FAE]  }
0x30: {  	s3 =	sld [smem:$0x3FB1]  }
0x31: {  	[smem:$0x3FBA] =	sst s10  }
0x32: {  	s10 =	sld [smem:$0x3FB8];
	_ =	sdelay $0x3  }
0x33: {  	p0 =	seq.s32 s10, $0x1;
	s10 =	sld [smem:$0x3FBA];
	_ =	sdelay $0x3  }
0x34: {  	[smem:$0x3FBA] =	sst s10  }
0x35: {  	s10 =	sld [smem:$0x3FB9];
	_ =	sdelay $0x3  }
0x36: {  	p1 =	seq.s32 s10, $0x1;
	s10 =	sld [smem:$0x3FBA];
	_ =	sdelay $0x3  }
0x37: {  	[smem:$0x3FBA] =	sst s10  }
0x38: {  	s10 =	sld [smem:$0x3FBB]  }
0x39: {  	_ = 	snop;
	(pc) =	sbr.ind lr, $3  }
0x3a: {  	_ = 	snop  }
0x3b: {  	_ = 	snop  }
0x3c: {  	p2 =	seq.s32 s10, $0x1;
	s10 =	sld [smem:$0x3FBA]  }
0x3d: {  	_ =	shalt  }
0x3e: {  	_ =	shalt  }
0x3f: {  	_ =	shalt  }
0x40: {  	_ =	shalt  }
0x41: {  	_ =	shalt  }
0x42: {  	_ =	shalt  }
0x43: {  	_ =	shalt  }
0x44: {  	_ =	shalt  }
0x45: {  	_ =	shalt  }
0x46: {  	_ =	shalt  }
0x47: {  	_ =	shalt  }
0x48: {  	_ =	shalt  }
0x49: {  	_ =	shalt  }
0x4a: {  	_ =	shalt  }
0x4b: {  	_ =	shalt  }
0x4c: {  	_ =	shalt  }
0x4d: {  	_ =	shalt  }
0x4e: {  	_ =	shalt  }
0x4f: {  	_ =	shalt  }
0x50: {  	_ =	shalt  }
0x51: {  	_ =	shalt  }
0x52: {  	_ =	shalt  }
0x53: {  	_ =	shalt  }
0x54: {  	_ =	shalt  }
0x55: {  	_ =	shalt  }
0x56: {  	_ =	shalt  }
0x57: {  	_ =	shalt  }
0x58: {  	_ =	shalt  }
0x59: {  	_ =	shalt  }
0x5a: {  	_ =	shalt  }
0x5b: {  	_ =	shalt  }
0x5c: {  	_ =	shalt  }
0x5d: {  	_ =	shalt  }
0x5e: {  	_ =	shalt  }
0x5f: {  	_ =	shalt  }
0x60: {  	_ =	shalt  }
0x61: {  	_ =	shalt  }
0x62: {  	_ =	shalt  }
0x63: {  	_ =	shalt  }
0x64: {  	_ =	shalt  }
0x65: {  	_ =	shalt  }
0x66: {  	_ =	shalt  }
0x67: {  	_ =	shalt  }
0x68: {  	_ =	shalt  }
0x69: {  	_ =	shalt  }
0x6a: {  	_ =	shalt  }
0x6b: {  	_ =	shalt  }
0x6c: {  	_ =	shalt  }
0x6d: {  	_ =	shalt  }
0x6e: {  	_ =	shalt  }
0x6f: {  	_ =	shalt  }
0x70: {  	_ =	shalt  }
0x71: {  	_ =	shalt  }
0x72: {  	_ =	shalt  }
0x73: {  	_ =	shalt  }
0x74: {  	_ =	shalt  }
0x75: {  	_ =	shalt  }
0x76: {  	_ =	shalt  }
0x77: {  	_ =	shalt  }
0x78: {  	_ =	shalt  }
0x79: {  	_ =	shalt  }
0x7a: {  	_ =	shalt  }
0x7b: {  	_ =	shalt  }
0x7c: {  	_ =	shalt  }
0x7d: {  	_ =	shalt  }
0x7e: {  	_ =	shalt  }
0x7f: {  	_ =	shalt  }
0x80: {  	_ =	shalt  }
0x81: {  	_ =	shalt  }
0x82: {  	_ =	shalt  }
0x83: {  	_ =	shalt  }
0x84: {  	_ =	shalt  }
0x85: {  	_ =	shalt  }
0x86: {  	_ =	shalt  }
0x87: {  	_ =	shalt  }
.Lfunc_end0:
.L_simem_size_0:
called_computation.1_lowered:
.L_overlay_start_0:
0x88: {  	s2 =	sld [smem:$0x3FD9]  }
0x89: {  	s3 =	sld [smem:$0x3FFE];
	_ =	sdelay $0x1  }
0x8a: {  	s1 =	srdreg.scid  }
0x8b: {  	s0 =	sand.u32 $0x1, s1  }
0x8c: {  	s16 =	sshll.u32 s0, $0xA;
	s2 =	sadd.s32 s3, s2  }
0x8d: {  	s2 =	sadd.s32 s2, s16  }
0x8e: {  	[smem:$0x3FC6] =	sst s2  }
0x8f: {  	_ = 	snop  }
0x90: {  	(tm) =	ssettm $0x1  }
0x91: {  	s17 =	sld [smem:$0x3FFB];
	_ =	sdelay $0x3  }
0x92: {  	_ =	strace s17  }
0x93: {  	s2 =	sld [smem:$0x3FFC];
	_ =	sdelay $0x3  }
0x94: {  	_ =	strace s2  }
0x95: {  	s2 =	sld [smem:$0x3FFD];
	_ =	sdelay $0x3  }
0x96: {  	_ =	strace s2  }
0x97: {  	_ =	strace $0x8FFFFFFF  }
0x98: {  	s18 =	sld [smem:$0x3FDB];
	_ =	sdelay $0x1  }
0x99: {  	s19 =	simm.s32 $_scs_section_size  }
0x9a: {  	s4 =	simm.s32 $_size__tile_overlayer_lowered;
	s5 =	simm.s32 $_tile_overlayer_lowered  }
0x9b: {  	s22 =	simm.s32 $0x1BFF;
	s21 =	sshll.u32 s5, $0x1;
	s2 =	sadd.s32 s19, s18  }
0x9c: {  	s6 =	simm.s32 $0x0;
	s20 =	sshll.u32 s4, $0x1;
	s4 =	sadd.s32 s21, s2  }
0x9d: {  	[timem:s6], [sflag:s22] =	dma.local [hbm:s4], s20  }
0x9e: {  	_ =	swait.ge [sflag:s22], s20  }
0x9f: {  	s3 =	ssub.s32 $0x0, s20;
	[sflag:s22] =	ssyncset.done $0x0  }
0xa0: {  	[sflag:s22] =	ssyncadd.s32 s3;
	_ =	sdelay $0x1  }
0xa1: {  	s23 =	simm.s32 $0x1B8B  }
0xa2: {  	_ =	swait.ge [sflag:s23], $0x1  }
0xa3: {  	[sflag:s23] =	ssyncset.done $0x0  }
0xa4: {  	s25 =	simm.s32 $0x1B8E;
	s24 =	sld [smem:$0x3FFE];
	[sflag:s23] =	ssyncadd.s32 $0xFFFFFFFF  }
0xa5: {  	s26 =	simm.s32 $execute0_lowered;
	[smem:$0x3FD2] =	sst s25  }
0xa6: {  	s4 =	sshll.u32 s26, $0x1;
	_ =	strace $0x80000049;
	[dreg:$0x1] =	wrdreg $0xFFFFFFFF  }
0xa7: {  	s28 =	simm.s32 $_size_execute0_lowered;
	s2 =	sadd.s32 s2, s4;
	[dreg:$0x0] =	wrdreg $0x0  }
0xa8: {  	s4 =	sshll.u32 s28, $0x1;
	[dreg:$0x2] =	wrdreg s2  }
0xa9: {  	[dreg:$0x3] =	wrdreg s4  }
0xaa: {  	[dreg:$0x4] =	wrdreg $0xC0  }
0xab: {  	_ =	task [dreg:s6], $0x5FFFF  }
0xac: {  	[dreg:$0x1] =	wrdreg $0xFFFFFFFF  }
0xad: {  	[dreg:$0x0] =	wrdreg $0x60  }
0xae: {  	[dreg:$0x2] =	wrdreg s24  }
0xaf: {  	[dreg:$0x3] =	wrdreg $0x9  }
0xb0: {  	_ =	task.clear_ibuf [dreg:s6], $0x4FFFF;
	_ =	strace $0x90000049  }
0xb1: {  	s29 =	simm.s32 $0x9;
	_ =	strace $0x8000004B  }
0xb2: {  	_ =	swait.ge [sflag:s29], $0x1  }
0xb3: {  	[sflag:s29] =	ssyncadd.s32 $0xFFFFFFFF  }
0xb4: {  	_ =	strace $0x9000004B  }
0xb5: {  	_ =	sfence  }
0xb6: {  	s30 =	sld [smem:$0x0];
	_ =	sdelay $0x2  }
0xb7: {  	s31 =	sshll.u32 s1, $0xD;
	s1 =	sshrl.u32 s1, $0x2  }
0xb8: {  	s3 =	sand.u32 $0x4000, s31;
	s1 =	sadd.s32 s1, s30  }
0xb9: {  	s0 =	sor.u32 s3, s0;
	s1 =	sshll.u32 s1, $0x11  }
0xba: {  	s0 =	sor.u32 s1, s0  }
0xbb: {  	s0 =	sadd.s32 $0x8F2B, s0  }
0xbc: {  	[sflag:s0] =	ssyncadd.remote.s32 $0x1  }
0xbd: {  	_ =	sfence.sel $0xFFFF  }
0xbe: {  	[dreg:$0x0] =	wrdreg $0xFFFFFFFF;
	(pc) =	sbr.abs _section_cstart, $3  }
0xbf: {  	[dreg:$0x1] =	wrdreg $0xFFFFFFFF  }
0xc0: {  	_ =	task.clear_ibuf [dreg:s6], $0x2FFFF;
	_ =	strace $0x9FFFFFFF  }
0xc1: {  	(tm) =	ssettm $0x7FFFFFFF  }
tec
execute0_lowered:
.L_overlay_start_1:
0x0: {  	(tag) =	ssettag $0x1  }
0x1: {  	s0 =	srdreg.scid;
	s5 =	rddreg [dreg:$0x0]  }
0x2: {  	s1 =	stileid.u32;
	s6 =	simm.s32 $0x1;
	s9 =	simm.s32 $0x1  }
0x3: {  	s10 =	simm.s32 $0x3;
	s13 =	simm.s32 $0x0;
	s2 =	sshll.u32 s0, $0x8  }
0x4: {  	s12 =	simm.s32 $0x0;
	s3 =	sshll.u32 s1, $0x9;
	s2 =	sand.u32 $0x100, s2  }
0x5: {  	s0 =	rddreg [dreg:$0x1];
	_ =	strace $0x8000004A;
	s2 =	sor.u32 s3, s2  }
0x6: {  	s4 =	sadd.s32 $0xC00, s5;
	[sflag:s6] =	ssyncpa.u1 $0x0;
	s8 =	ssub.s32 $0x4000, s2  }
.Ltmp0:
0x7: {  	s3 =	sadd.s32 $0x2400, s5;
	s7 =	sand.u32 $0x1F00, s8;
	(pc) =	sbr.rel .LBB2_1-.Ltmp0, $4  }
0x8: {  	s5 =	sadd.s32 $0x1400, s5;
	s11 =	smov.u32 s2;
	p0 =	sne.s32 s7, $0x0  }
0x9: {  	s8 =	sshrl.u32 s8, $0xD;
	s7 =	simm.s32 $0x2;
	s9 =	simm.s32 @!p0 $0x0  }
0xa: {  	[sflag:s7] =	ssyncpa.u1 $0x0;
	p0 =	por $0x0, $0x0;
	s8 =	sadd.s32 s9, s8  }
0xb: {  	vm0 =	vmmov $0xffff;
	[sflag:s10] =	ssyncpa.u1 $0x0;
	s10 =	simm.s32 $0x0;
	s9 =	sadd.s32 $0x1, s8  }
.LBB2_4:
0xc: {  	v2 =	vnsel vm1, $0x0, v2  }
0xd: {  	vm1 =	vgt.s32 v0, $0x0;
	v2 =	vmin.u32 v2, $0xF423F  }
0xe: {  	v0 =	vnsel vm1, $0x0, v0  }
0xf: {  	v0 =	vmin.u32 v0, $0xF423F  }
0x10: {  	[tilespmem:s15], [sflag:$0x1] =	stream.indirect_vreg.gather [hbm4b:s3+s10], $0x1, v1, vm0, $0x4038;
	[tilespmem:$0x400] =	vst v63  }
0x11: {  	(ifvalue) =	ssetifvalue $0x7FFFFFFF  }
0x12: {  	[tilespmem:s16], [sflag:$0x1] =	stream.indirect_vreg.gather [hbm4b:s3+s10], $0x1, v2, vm0, $0x4038;
	[tilespmem:$0x400] =	vst v63  }
0x13: {  	s29 =	sadd.s32 $0x10, s16;
	(ifvalue) =	ssetifvalue $0x7FFFFFFF  }
0x14: {  	[tilespmem:s29], [sflag:$0x1] =	stream.indirect_vreg.gather [hbm4b:s3+s10], $0x1, v0, vm0, $0x4038;
	[tilespmem:$0x400] =	vst v63  }
0x15: {  	_ =	swait.ge [sflag:s6], $0x100  }
0x16: {  	s30 =	sshrl.u32 s13, $0x3;
	[sflag:s6] =	ssyncset.done $0x0  }
0x17: {  	s31 =	sand.u32 $0x7, s13;
	s15 =	sadd.s32 s5, s30;
	[sflag:s6] =	ssyncadd.s32 $0xFFFFFF00  }
0x18: {  	[hbm4b:s15+s31] =	stream.linear.scatter [tilespmem:s14], [sflag:$0x3], $0x100, $0x38;
	[tilespmem:$0x400] =	vst v63  }
.LBB2_5:
0x19: {  	s15 =	sadd.s32 $0x2000, s11  }
0x1a: {  	p2 =	sgt.s32 s15, $0x3FFF  }
0x1b: {  	s15 =	smov.u32 @p2 s2;
	p2 =	sne.s32 s12, s9  }
.Ltmp1:
0x1c: {  	p1 =	slt.u32 s12, $0x2;
	(pc) =	sbr.rel @!p2 .LBB2_6-.Ltmp1, $4  }
0x1d: {  	s14 =	simm.s32 @!p1 $0x3  }
0x1e: {  	s16 =	sadd.s32 $0x1, s12;
	_ =	swait.ge @!p1 [sflag:s14], $0x100  }
0x1f: {  	s13 =	smov.u32 s11;
	p0 =	por !p0, !p0;
	[sflag:s14] =	ssyncset.done @!p1 $0x0  }
0x20: {  	s12 =	smov.u32 s16;
	s11 =	smov.u32 s15;
	[sflag:s14] =	ssyncadd.s32 @!p1 $0xFFFFFF00  }
.LBB2_1:
0x21: {  	p1 =	sge.u32 s12, s8  }
0x22: {  	s14 =	sxor.u32 @!p1 $0xFFFFFFFF, s12  }
0x23: {  	s31 =	sadd.s32 $0xFFFFFFFF, s12;
	s15 =	sshrl.u32 @!p1 s11, $0x3;
	s14 =	sshll.u32 @!p1 s14, $0x8  }
0x24: {  	s16 =	sand.u32 @!p1 $0x7, s11;
	s15 =	sadd.s32 @!p1 s4, s15;
	s14 =	sand.u32 @!p1 $0x100, s14  }
0x25: {  	[tilespmem:s14], [sflag:$0x2] =	stream.linear.gather @!p1 [hbm4b:s15+s16], $0x100, $0x38;
	[tilespmem:$0x400] =	vst v63  }
0x26: {  	p1 =	sge.u32 s31, s8  }
.Ltmp2:
0x27: {  	_ = 	snop;
	(pc) =	sbr.rel @p1 .LBB2_5-.Ltmp2, $1  }
0x28: {  	_ =	sdelay $0x3  }
0x29: {  	s14 =	simm.s32 $0x1  }
0x2a: {  	_ =	swait.ge [sflag:s7], $0x100;
	s14 =	simm.s32 @!p0 $0x0  }
0x2b: {  	[sflag:s7] =	ssyncset.done $0x0;
	s14 =	sshll.u32 s14, $0x8  }
0x2c: {  	[sflag:s7] =	ssyncadd.s32 $0xFFFFFF00;
	(ifvalue) =	ssetifvalue $0x7FFFFFFF;
	v0 =	vld.msk [tilespmem:s14+$0x0 ss:$0x1], $0xffff;
	_ =	sdelay $0x4  }
0x2d: {  	s15 =	sadd.s32 $0x10, s14;
	vm1 =	vgt.s32 v0, $0x0  }
0x2e: {  	v2 =	vld.msk [tilespmem:s15+$0x0 ss:$0x1], $0xffff;
	v1 =	vnsel vm1, $0x0, v0  }
0x2f: {  	v1 =	vmin.u32 v1, $0xF423F;
	_ =	sdelay $0x1  }
0x30: {  	s16 =	sshll.u32 s12, $0x8;
	s18 =	simm.s32 $0x20  }
0x31: {  	s16 =	sand.u32 $0x100, s16;
	s17 =	sadd.s32 $0x10, s15;
	s15 =	sor.u32 $0x200, s14  }
0x32: {  	s14 =	sor.u32 $0x200, s16;
	s16 =	sadd.s32 $0x10, s15;
	v0 =	vld.msk [tilespmem:s17+$0x0 ss:$0x1], $0xffff;
	vm1 =	vgt.s32 v2, $0x0;
	(ifvalue) =	ssetifvalue $0x7FFFFFFF  }
.LBB2_3:
0x33: {  	[tilespmem:s15], [sflag:$0x1] =	stream.indirect_vreg.gather [hbm4b:s3+s10], $0x1, v1, vm0, $0x4038;
	[tilespmem:$0x400] =	vst v63  }
0x34: {  	s18 =	sadd.s32 $0x10, s18  }
0x35: {  	v2 =	vnsel vm1, $0x0, v2;
	p1 =	slt.u32 s18, $0xF0  }
.Ltmp3:
0x36: {  	s15 =	smov.u32 s16;
	v1 =	vmin.u32 v2, $0xF423F;
	(pc) =	sbr.rel @p1 .LBB2_3-.Ltmp3, $3  }
0x37: {  	_ =	sdelay $0x1  }
0x38: {  	s17 =	sadd.s32 $0x10, s17  }
0x39: {  	vm1 =	vgt.s32 v0, $0x0;
	s16 =	sadd.s32 $0x10, s16;
	v2 =	vmov v0;
	(ifvalue) =	ssetifvalue $0x7FFFFFFF;
	v0 =	vld.msk [tilespmem:s17+$0x0 ss:$0x1], $0xffff  }
.Ltmp4:
0x3a: {  	_ = 	snop;
	(pc) =	sbr.rel .LBB2_4-.Ltmp4, $1  }
0x3b: {  	_ =	sdelay $0x3  }
.LBB2_6:
0x3c: {  	_ =	sfence.sel $0x180000  }
0x3d: {  	s2 =	simm.s32 $0x2;
	[bflag:$0x0] =	sbarrier.arrive $0xFFFF  }
0x3e: {  	s30 =	simm.s32 $0x3;
	[sflag:s2] =	ssyncpa.u1 $0x1  }
0x3f: {  	s31 =	simm.s32 $0x1;
	[sflag:s30] =	ssyncpa.u1 $0x1  }
0x40: {  	[sflag:s31] =	ssyncpa.u1 $0x1  }
0x41: {  	p0 =	sne.s32 s1, $0x0;
	_ =	strace $0x9000004A  }
0x42: {  	s0 =	sadd.s32 @!p0 $0x100000, s0;
	[bflag:$0x2] =	sbarrier.arrive $0xFFFF  }
0x43: {  	[sflag:s0] =	ssyncadd.tile.s32 @!p0 $0x1;
	_ =	shalt  }
.Lfunc_end2:
_tile_overlayer_lowered:
.L_overlay_start_2:
0x44: {  	(tag) =	ssettag $0x2  }
0x45: {  	s0 =	rddreg [dreg:$0x0];
	s2 =	stileid.u32  }
0x46: {  	s1 =	rddreg [dreg:$0x1];
	p0 =	sne.s32 s2, $0x0  }
0x47: {  	s3 =	rddreg [dreg:$0x2];
	[bflag:$0x3] =	sbarrier.arrive $0xFFFF;
	s2 =	simm.s32 @!p0 $0x1C01  }
0x48: {  	[timem:s3], [sflag:s2] =	dma.local @!p0 [hbm:s0], s1  }
0x49: {  	s0 =	simm.s32 @!p0 $0x1  }
0x4a: {  	_ =	swait.ge @!p0 [sflag:s0], s1  }
0x4b: {  	s1 =	ssub.s32 @!p0 $0x0, s1;
	[sflag:s0] =	ssyncset.done @!p0 $0x0  }
0x4c: {  	[sflag:s0] =	ssyncadd.s32 @!p0 s1  }
0x4d: {  	[bflag:$0x3] =	sbarrier.arrive $0xFFFF  }
0x4e: {  	_ =	shalt  }

// kernel: kernel.4.cloned.1.call-start
scs
__scs_entry_jumppad:
0x0: {  	(pc) =	sbr.rel $0x88, $3  }
0x1: {  	(tag) =	ssettag $0x0;
	lr =	simm.s32 $0x1  }
0x2: {  	[smem:$0x3F9F] =	sst lr;
	_ =	strace $0xD0000000  }
0x3: {  	_ = 	snop  }
0x4: {  	_ = 	snop  }
0x5: {  	_ = 	snop  }
0x6: {  	_ = 	snop  }
0x7: {  	_ = 	snop  }
__scs_overlays_trampoline_lowered:
0x8: {  	[smem:$0x3FAE] =	sst s0  }
0x9: {  	[smem:$0x3FAF] =	sst s1  }
0xa: {  	[smem:$0x3FB0] =	sst s2  }
0xb: {  	[smem:$0x3FB1] =	sst s3  }
0xc: {  	[smem:$0x3FB2] =	sst s4  }
0xd: {  	[smem:$0x3FB3] =	sst s5  }
0xe: {  	[smem:$0x3FB4] =	sst s6  }
0xf: {  	[smem:$0x3FB5] =	sst s7  }
0x10: {  	[smem:$0x3FB6] =	sst s8  }
0x11: {  	[smem:$0x3FB7] =	sst s9;
	s0 =	simm.s32 @!p0 $0x0  }
0x12: {  	s1 =	sld [smem:$0x3F9D];
	s0 =	simm.s32 @p0 $0x1  }
0x13: {  	[smem:$0x3FB8] =	sst s0;
	s0 =	simm.s32 @!p1 $0x0  }
0x14: {  	s2 =	sld [smem:$0x3F9C];
	s0 =	simm.s32 @p1 $0x1  }
0x15: {  	[smem:$0x3FB9] =	sst s0;
	s0 =	simm.s32 @!p2 $0x0  }
0x16: {  	s3 =	sld [smem:$0x3FDB];
	s0 =	simm.s32 @p2 $0x1  }
0x17: {  	s4 =	simm.s32 $0x1BF5;
	[smem:$0x3FBB] =	sst s0  }
0x18: {  	s0 =	sld [smem:$0x3F9E];
	_ =	swait.ge [sflag:s4], $0x0  }
0x19: {  	s7 =	sld [smem:$0x3F9F]  }
0x1a: {  	s8 =	sadd.s32 $0xFFFFE003, lr  }
0x1b: {  	s9 =	sadd.s32 $0xFFFFFEF7, lr;
	s5 =	simm.s32 $0xFFFFFFFF;
	p2 =	slt.u32 s8, $0xFFFFF086  }
0x1c: {  	p1 =	slt.u32 s9, $0xF7A;
	s5 =	simm.s32 @!p2 $0x0  }
0x1d: {  	s5 =	simm.s32 @p1 $0x1;
	p0 =	seq.s32 s7, s2  }
0x1e: {  	s7 =	smul.u32 @!p0 $0xF7A, s2;
	p2 =	seq.s32 @!p0 s5, $0x0  }
0x1f: {  	s9 =	smul.u32 $0xF7A, s1;
	s8 =	simm.s32 @!p0 $0x1BF5;
	p2 =	por !p2, p0  }
0x20: {  	[sflag:s8] =	ssyncset.s32 @!p0 $0xFFFFF086;
	s6 =	sadd.s32 @!p0 s3, s7;
	s7 =	simm.s32 @!p0 $0x108  }
0x21: {  	s3 =	sadd.s32 s3, s9;
	s6 =	sadd.s32 @!p0 $0x88, s6;
	s7 =	simm.s32 @p2 $0x1082  }
0x22: {  	[simem:s7], [sflag:s8] =	dma.local @!p0 [hbm:s6], $0xF7A  }
0x23: {  	s9 =	sor.u32 $0xD0000000, s2;
	s6 =	simm.s32 $0x108;
	_ =	swait.ge @!p0 [sflag:s8], $0x0  }
0x24: {  	s3 =	sadd.s32 $0x88, s3;
	s6 =	simm.s32 @!p1 $0x1082;
	[sflag:s4] =	ssyncset.s32 $0xFFFFF086  }
0x25: {  	[simem:s6], [sflag:s4] =	dma.local [hbm:s3], $0xF7A  }
0x26: {  	[smem:$0x3F9F] =	sst s1;
	(tag) =	ssettag s2;
	_ =	strace s9  }
0x27: {  	s1 =	sld [smem:$0x3FAF]  }
0x28: {  	s2 =	sld [smem:$0x3FB0]  }
0x29: {  	s4 =	sld [smem:$0x3FB2]  }
0x2a: {  	p0 =	seq.s32 s5, $0x0;
	s5 =	sld [smem:$0x3FB3]  }
0x2b: {  	s6 =	sld [smem:$0x3FB4]  }
0x2c: {  	s7 =	sld [smem:$0x3FB5]  }
0x2d: {  	s3 =	simm.s32 $0x108;
	s8 =	sld [smem:$0x3FB6]  }
0x2e: {  	s3 =	simm.s32 @!p0 $0x1082;
	s9 =	sld [smem:$0x3FB7]  }
0x2f: {  	lr =	sadd.s32 s0, s3;
	s0 =	sld [smem:$0x3FAE]  }
0x30: {  	s3 =	sld [smem:$0x3FB1]  }
0x31: {  	[smem:$0x3FBA] =	sst s10  }
0x32: {  	s10 =	sld [smem:$0x3FB8];
	_ =	sdelay $0x3  }
0x33: {  	p0 =	seq.s32 s10, $0x1;
	s10 =	sld [smem:$0x3FBA];
	_ =	sdelay $0x3  }
0x34: {  	[smem:$0x3FBA] =	sst s10  }
0x35: {  	s10 =	sld [smem:$0x3FB9];
	_ =	sdelay $0x3  }
0x36: {  	p1 =	seq.s32 s10, $0x1;
	s10 =	sld [smem:$0x3FBA];
	_ =	sdelay $0x3  }
0x37: {  	[smem:$0x3FBA] =	sst s10  }
0x38: {  	s10 =	sld [smem:$0x3FBB]  }
0x39: {  	_ = 	snop;
	(pc) =	sbr.ind lr, $3  }
0x3a: {  	_ = 	snop  }
0x3b: {  	_ = 	snop  }
0x3c: {  	p2 =	seq.s32 s10, $0x1;
	s10 =	sld [smem:$0x3FBA]  }
0x3d: {  	_ =	shalt  }
0x3e: {  	_ =	shalt  }
0x3f: {  	_ =	shalt  }
0x40: {  	_ =	shalt  }
0x41: {  	_ =	shalt  }
0x42: {  	_ =	shalt  }
0x43: {  	_ =	shalt  }
0x44: {  	_ =	shalt  }
0x45: {  	_ =	shalt  }
0x46: {  	_ =	shalt  }
0x47: {  	_ =	shalt  }
0x48: {  	_ =	shalt  }
0x49: {  	_ =	shalt  }
0x4a: {  	_ =	shalt  }
0x4b: {  	_ =	shalt  }
0x4c: {  	_ =	shalt  }
0x4d: {  	_ =	shalt  }
0x4e: {  	_ =	shalt  }
0x4f: {  	_ =	shalt  }
0x50: {  	_ =	shalt  }
0x51: {  	_ =	shalt  }
0x52: {  	_ =	shalt  }
0x53: {  	_ =	shalt  }
0x54: {  	_ =	shalt  }
0x55: {  	_ =	shalt  }
0x56: {  	_ =	shalt  }
0x57: {  	_ =	shalt  }
0x58: {  	_ =	shalt  }
0x59: {  	_ =	shalt  }
0x5a: {  	_ =	shalt  }
0x5b: {  	_ =	shalt  }
0x5c: {  	_ =	shalt  }
0x5d: {  	_ =	shalt  }
0x5e: {  	_ =	shalt  }
0x5f: {  	_ =	shalt  }
0x60: {  	_ =	shalt  }
0x61: {  	_ =	shalt  }
0x62: {  	_ =	shalt  }
0x63: {  	_ =	shalt  }
0x64: {  	_ =	shalt  }
0x65: {  	_ =	shalt  }
0x66: {  	_ =	shalt  }
0x67: {  	_ =	shalt  }
0x68: {  	_ =	shalt  }
0x69: {  	_ =	shalt  }
0x6a: {  	_ =	shalt  }
0x6b: {  	_ =	shalt  }
0x6c: {  	_ =	shalt  }
0x6d: {  	_ =	shalt  }
0x6e: {  	_ =	shalt  }
0x6f: {  	_ =	shalt  }
0x70: {  	_ =	shalt  }
0x71: {  	_ =	shalt  }
0x72: {  	_ =	shalt  }
0x73: {  	_ =	shalt  }
0x74: {  	_ =	shalt  }
0x75: {  	_ =	shalt  }
0x76: {  	_ =	shalt  }
0x77: {  	_ =	shalt  }
0x78: {  	_ =	shalt  }
0x79: {  	_ =	shalt  }
0x7a: {  	_ =	shalt  }
0x7b: {  	_ =	shalt  }
0x7c: {  	_ =	shalt  }
0x7d: {  	_ =	shalt  }
0x7e: {  	_ =	shalt  }
0x7f: {  	_ =	shalt  }
0x80: {  	_ =	shalt  }
0x81: {  	_ =	shalt  }
0x82: {  	_ =	shalt  }
0x83: {  	_ =	shalt  }
0x84: {  	_ =	shalt  }
0x85: {  	_ =	shalt  }
0x86: {  	_ =	shalt  }
0x87: {  	_ =	shalt  }
.Lfunc_end0:
.L_simem_size_0:
called_computation.3_lowered:
.L_overlay_start_0:
0x88: {  	s2 =	sld [smem:$0x3FD9]  }
0x89: {  	s3 =	sld [smem:$0x3FFE];
	_ =	sdelay $0x1  }
0x8a: {  	s1 =	srdreg.scid  }
0x8b: {  	s0 =	sand.u32 $0x1, s1  }
0x8c: {  	s17 =	sshll.u32 s0, $0xA;
	s2 =	sadd.s32 s3, s2  }
0x8d: {  	s2 =	sadd.s32 s2, s17  }
0x8e: {  	[smem:$0x3FC6] =	sst s2  }
0x8f: {  	_ = 	snop  }
0x90: {  	s2 =	sld [smem:$0x3FC8]  }
0x91: {  	s18 =	sld [smem:$0x3FD0];
	(tm) =	ssettm $0x1  }
0x92: {  	s4 =	sld [smem:$0x3FFB];
	_ =	sdelay $0x3  }
0x93: {  	_ =	strace s4  }
0x94: {  	s4 =	sld [smem:$0x3FFC];
	_ =	sdelay $0x3  }
0x95: {  	_ =	strace s4  }
0x96: {  	s4 =	sld [smem:$0x3FFD];
	_ =	sdelay $0x3  }
0x97: {  	_ =	strace s4  }
0x98: {  	_ =	strace $0x8FFFFFFF  }
0x99: {  	s19 =	sld [smem:$0x3FDB];
	_ =	sdelay $0x1  }
0x9a: {  	s5 =	simm.s32 $_scs_section_size  }
0x9b: {  	s6 =	simm.s32 $_size__tile_overlayer_lowered;
	s7 =	simm.s32 $_tile_overlayer_lowered  }
0x9c: {  	s22 =	simm.s32 $0x1BFF;
	s21 =	sshll.u32 s7, $0x1;
	s4 =	sadd.s32 s5, s19  }
0x9d: {  	s8 =	simm.s32 $0x0;
	s20 =	sshll.u32 s6, $0x1;
	s6 =	sadd.s32 s21, s4  }
0x9e: {  	[timem:s8], [sflag:s22] =	dma.local [hbm:s6], s20  }
0x9f: {  	_ =	swait.ge [sflag:s22], s20  }
0xa0: {  	s5 =	ssub.s32 $0x0, s20;
	[sflag:s22] =	ssyncset.done $0x0  }
0xa1: {  	[sflag:s22] =	ssyncadd.s32 s5;
	_ =	sdelay $0x1  }
0xa2: {  	s23 =	simm.s32 $0x1B8B  }
0xa3: {  	_ =	swait.ge [sflag:s23], $0x1  }
0xa4: {  	[sflag:s23] =	ssyncset.done $0x0  }
0xa5: {  	s25 =	simm.s32 $0x1B8E;
	s24 =	sld [smem:$0x3FFE];
	[sflag:s23] =	ssyncadd.s32 $0xFFFFFFFF  }
0xa6: {  	s26 =	simm.s32 $execute0_lowered;
	[smem:$0x3FD2] =	sst s25  }
0xa7: {  	s6 =	sshll.u32 s26, $0x1;
	_ =	strace $0x8000004F;
	[dreg:$0x1] =	wrdreg $0xFFFFFFFF  }
0xa8: {  	s28 =	simm.s32 $_size_execute0_lowered;
	s4 =	sadd.s32 s4, s6;
	[dreg:$0x0] =	wrdreg $0x0  }
0xa9: {  	s6 =	sshll.u32 s28, $0x1;
	[dreg:$0x2] =	wrdreg s4  }
0xaa: {  	[dreg:$0x3] =	wrdreg s6  }
0xab: {  	[dreg:$0x4] =	wrdreg $0xC0  }
0xac: {  	_ =	task [dreg:s8], $0x5FFFF  }
0xad: {  	[dreg:$0x1] =	wrdreg $0xFFFFFFFF  }
0xae: {  	[dreg:$0x0] =	wrdreg $0x60  }
0xaf: {  	[dreg:$0x2] =	wrdreg s2  }
0xb0: {  	[dreg:$0x3] =	wrdreg s18  }
0xb1: {  	[dreg:$0x4] =	wrdreg s24  }
0xb2: {  	[dreg:$0x5] =	wrdreg $0x9  }
0xb3: {  	_ =	task.clear_ibuf [dreg:s8], $0x6FFFF;
	_ =	strace $0x9000004F  }
0xb4: {  	s29 =	simm.s32 $0x9;
	_ =	strace $0x80000051  }
0xb5: {  	_ =	swait.ge [sflag:s29], $0x1  }
0xb6: {  	[sflag:s29] =	ssyncadd.s32 $0xFFFFFFFF  }
0xb7: {  	_ =	strace $0x90000051  }
0xb8: {  	_ =	sfence  }
0xb9: {  	s30 =	sld [smem:$0x0];
	_ =	sdelay $0x2  }
0xba: {  	s31 =	sshll.u32 s1, $0xD;
	s1 =	sshrl.u32 s1, $0x2  }
0xbb: {  	s3 =	sand.u32 $0x4000, s31;
	s1 =	sadd.s32 s1, s30  }
0xbc: {  	s0 =	sor.u32 s3, s0;
	s1 =	sshll.u32 s1, $0x11  }
0xbd: {  	s0 =	sor.u32 s1, s0  }
0xbe: {  	s0 =	sadd.s32 $0x8F2B, s0  }
0xbf: {  	[sflag:s0] =	ssyncadd.remote.s32 $0x1  }
0xc0: {  	_ =	sfence.sel $0xFFFF  }
0xc1: {  	[dreg:$0x0] =	wrdreg $0xFFFFFFFF;
	(pc) =	sbr.abs _section_cstart, $3  }
0xc2: {  	[dreg:$0x1] =	wrdreg $0xFFFFFFFF  }
0xc3: {  	_ =	task.clear_ibuf [dreg:s8], $0x2FFFF;
	_ =	strace $0x9FFFFFFF  }
0xc4: {  	(tm) =	ssettm $0x7FFFFFFF  }
0xc5: {  	_ =	shalt  }
tec
execute0_lowered:
.L_overlay_start_1:
0x0: {  	(tag) =	ssettag $0x1  }
0x1: {  	s3 =	rddreg [dreg:$0x0]  }
0x2: {  	s4 =	rddreg [dreg:$0x1]  }
0x3: {  	s7 =	rddreg [dreg:$0x2]  }
0x4: {  	s0 =	rddreg [dreg:$0x3];
	s2 =	simm.s32 $0x0;
	s1 =	srdreg.scid  }
0x5: {  	[smem:$0x7FF] =	sst s2;
	s11 =	sand.u32 $0x1, s1  }
0x6: {  	s1 =	stileid.u32;
	_ =	strace $0x80000050;
	s5 =	sshll.u32 s11, $0x6  }
0x7: {  	s6 =	sshll.u32 s1, $0x7;
	s30 =	sshll.u32 s11, $0xD;
	s3 =	sadd.s32 s3, s5  }
0x8: {  	s31 =	sshll.u32 s1, $0xE;
	s4 =	sadd.s32 s4, s30;
	s3 =	sadd.s32 s6, s3  }
0x9: {  	[tilespmem:s2], [sflag:$0x1] =	stream.linear.gather [hbm4b:s3+s2], $0x200, $0x38;
	[tilespmem:$0x10200] =	vst v63  }
0xa: {  	s5 =	simm.s32 $0x200;
	s4 =	sadd.s32 s31, s4;
	s6 =	simm.s32 $0x1  }
0xb: {  	[tilespmem:s5], [sflag:$0x1] =	stream.linear.gather [hbm4b:s4+s2], $0x10000, $0x38;
	[tilespmem:$0x10200] =	vst v63  }
0xc: {  	_ =	swait.ge [sflag:s6], $0x200  }
0xd: {  	[sflag:s6] =	ssyncset.done $0x0  }
0xe: {  	[sflag:s6] =	ssyncadd.s32 $0xFFFFFE00  }
0xf: {  	_ =	swait.ge [sflag:s6], $0x10000  }
0x10: {  	s9 =	simm.s32 $0x80;
	[sflag:s6] =	ssyncset.done $0x0  }
0x11: {  	s8 =	simm.s32 $0x2;
	s7 =	sadd.s32 $0x20E00, s7;
	[sflag:s6] =	ssyncadd.s32 $0xFFFF0000  }
0x12: {  	[hbm4b:s7+s9] =	stream.indirect.scatter [tilespmem:s5], [sflag:$0x2], $0x80, s2, s9, $0xb8;
	[tilespmem:$0x10200] =	vst v63  }
0x13: {  	_ =	swait.ge [sflag:s8], $0x4000  }
0x14: {  	[sflag:s8] =	ssyncset.done $0x0  }
0x15: {  	s10 =	simm.s32 $0x4200;
	s13 =	ssub.s32 $0x2, s11;
	[sflag:s8] =	ssyncadd.s32 $0xFFFFC000  }
0x16: {  	[hbm4b:s7+s9] =	stream.indirect.scatter [tilespmem:s10], [sflag:$0x2], $0x80, s9, s9, $0xb8;
	[tilespmem:$0x10200] =	vst v63  }
0x17: {  	s14 =	sshrl.u32 s13, $0x1;
	_ =	swait.ge [sflag:s8], $0x4000  }
0x18: {  	s12 =	simm.s32 $0x8200;
	s13 =	ssub.s32 s13, s14;
	[sflag:s8] =	ssyncset.done $0x0  }
0x19: {  	s11 =	simm.s32 $0x100;
	s15 =	smax.u32 s13, $0x1;
	[sflag:s8] =	ssyncadd.s32 $0xFFFFC000  }
0x1a: {  	[hbm4b:s7+s9] =	stream.indirect.scatter [tilespmem:s12], [sflag:$0x2], $0x80, s11, s9, $0xb8;
	[tilespmem:$0x10200] =	vst v63  }
0x1b: {  	p0 =	sne.s32 s15, $0x1;
	_ =	swait.ge [sflag:s8], $0x4000  }
.Ltmp0:
0x1c: {  	[sflag:s8] =	ssyncset.done $0x0;
	(pc) =	sbr.rel @!p0 .LBB2_2-.Ltmp0, $4  }
0x1d: {  	s14 =	simm.s32 $0xC200;
	s13 =	simm.s32 $0x180;
	[sflag:s8] =	ssyncadd.s32 $0xFFFFC000  }
0x1e: {  	[hbm4b:s7+s9] =	stream.indirect.scatter [tilespmem:s14], [sflag:$0x2], $0x80, s13, s9, $0xb8;
	[tilespmem:$0x10200] =	vst v63  }
0x1f: {  	_ =	swait.ge [sflag:s8], $0x4000  }
0x20: {  	s15 =	sadd.s32 $0xFFFFFFFF, s15;
	[sflag:s8] =	ssyncset.done $0x0  }
.LBB2_1:
0x21: {  	p0 =	sne.s32 s15, $0x1;
	s15 =	sadd.s32 $0xFFFFFFFF, s15;
	[sflag:s8] =	ssyncadd.s32 $0xFFFFC000  }
0x22: {  	[tilespmem:s2], [sflag:$0x1] =	stream.linear.gather [hbm4b:s3+s2], $0x200, $0x38;
	[tilespmem:$0x10200] =	vst v63  }
0x23: {  	_ = 	snop  }
0x24: {  	[tilespmem:s5], [sflag:$0x1] =	stream.linear.gather [hbm4b:s4+s2], $0x10000, $0x38;
	[tilespmem:$0x10200] =	vst v63  }
0x25: {  	_ =	swait.ge [sflag:s6], $0x200  }
0x26: {  	[sflag:s6] =	ssyncset.done $0x0  }
0x27: {  	[sflag:s6] =	ssyncadd.s32 $0xFFFFFE00  }
0x28: {  	_ =	swait.ge [sflag:s6], $0x10000  }
0x29: {  	[sflag:s6] =	ssyncset.done $0x0  }
0x2a: {  	[sflag:s6] =	ssyncadd.s32 $0xFFFF0000  }
0x2b: {  	[hbm4b:s7+s9] =	stream.indirect.scatter [tilespmem:s5], [sflag:$0x2], $0x80, s2, s9, $0xb8;
	[tilespmem:$0x10200] =	vst v63  }
0x2c: {  	_ =	swait.ge [sflag:s8], $0x4000  }
0x2d: {  	[sflag:s8] =	ssyncset.done $0x0  }
0x2e: {  	[sflag:s8] =	ssyncadd.s32 $0xFFFFC000  }
0x2f: {  	[hbm4b:s7+s9] =	stream.indirect.scatter [tilespmem:s10], [sflag:$0x2], $0x80, s9, s9, $0xb8;
	[tilespmem:$0x10200] =	vst v63  }
0x30: {  	_ =	swait.ge [sflag:s8], $0x4000  }
0x31: {  	[sflag:s8] =	ssyncset.done $0x0  }
0x32: {  	[sflag:s8] =	ssyncadd.s32 $0xFFFFC000  }
0x33: {  	[hbm4b:s7+s9] =	stream.indirect.scatter [tilespmem:s12], [sflag:$0x2], $0x80, s11, s9, $0xb8;
	[tilespmem:$0x10200] =	vst v63  }
0x34: {  	_ =	swait.ge [sflag:s8], $0x4000  }
.Ltmp1:
0x35: {  	[sflag:s8] =	ssyncset.done $0x0;
	(pc) =	sbr.rel @p0 .LBB2_1-.Ltmp1, $4  }
0x36: {  	[sflag:s8] =	ssyncadd.s32 $0xFFFFC000  }
0x37: {  	[hbm4b:s7+s9] =	stream.indirect.scatter [tilespmem:s14], [sflag:$0x2], $0x80, s13, s9, $0xb8;
	[tilespmem:$0x10200] =	vst v63  }
0x38: {  	_ =	swait.ge [sflag:s8], $0x4000  }
0x39: {  	[sflag:s8] =	ssyncset.done $0x0  }
.LBB2_2:
0x3a: {  	[sflag:s8] =	ssyncadd.s32 $0xFFFFC000  }
0x3b: {  	_ =	sfence.sel $0x180000  }
0x3c: {  	[bflag:$0x0] =	sbarrier.arrive $0xFFFF  }
0x3d: {  	p0 =	sne.s32 s1, $0x0;
	_ =	strace $0x90000050  }
0x3e: {  	s0 =	sadd.s32 @!p0 $0x100000, s0;
	[bflag:$0x2] =	sbarrier.arrive $0xFFFF  }
0x3f: {  	[sflag:s0] =	ssyncadd.tile.s32 @!p0 $0x1;
	_ =	shalt  }
.Lfunc_end2:
_tile_overlayer_lowered:
.L_overlay_start_2:
0x40: {  	(tag) =	ssettag $0x2  }
0x41: {  	s0 =	rddreg [dreg:$0x0];
	s2 =	stileid.u32  }
0x42: {  	s1 =	rddreg [dreg:$0x1];
	p0 =	sne.s32 s2, $0x0  }
0x43: {  	s3 =	rddreg [dreg:$0x2];
	[bflag:$0x3] =	sbarrier.arrive $0xFFFF;
	s2 =	simm.s32 @!p0 $0x1C02  }
0x44: {  	[timem:s3], [sflag:s2] =	dma.local @!p0 [hbm:s0], s1  }
0x45: {  	s0 =	simm.s32 @!p0 $0x2  }
0x46: {  	_ =	swait.ge @!p0 [sflag:s0], s1  }
0x47: {  	s1 =	ssub.s32 @!p0 $0x0, s1;
	[sflag:s0] =	ssyncset.done @!p0 $0x0  }
0x48: {  	[sflag:s0] =	ssyncadd.s32 @!p0 s1  }
0x49: {  	[bflag:$0x3] =	sbarrier.arrive $0xFFFF  }
0x4a: {  	_ =	shalt  }

// kernel: scatter_offload_async_start
scs
__scs_entry_jumppad:
0x0: {  	(pc) =	sbr.rel $0x88, $3  }
0x1: {  	(tag) =	ssettag $0x0;
	lr =	simm.s32 $0x1  }
0x2: {  	[smem:$0x3F9F] =	sst lr;
	_ =	strace $0xD0000000  }
0x3: {  	_ = 	snop  }
0x4: {  	_ = 	snop  }
0x5: {  	_ = 	snop  }
0x6: {  	_ = 	snop  }
0x7: {  	_ = 	snop  }
__scs_overlays_trampoline_lowered:
0x8: {  	[smem:$0x3FAE] =	sst s0  }
0x9: {  	[smem:$0x3FAF] =	sst s1  }
0xa: {  	[smem:$0x3FB0] =	sst s2  }
0xb: {  	[smem:$0x3FB1] =	sst s3  }
0xc: {  	[smem:$0x3FB2] =	sst s4  }
0xd: {  	[smem:$0x3FB3] =	sst s5  }
0xe: {  	[smem:$0x3FB4] =	sst s6  }
0xf: {  	[smem:$0x3FB5] =	sst s7  }
0x10: {  	[smem:$0x3FB6] =	sst s8  }
0x11: {  	[smem:$0x3FB7] =	sst s9;
	s0 =	simm.s32 @!p0 $0x0  }
0x12: {  	s1 =	sld [smem:$0x3F9D];
	s0 =	simm.s32 @p0 $0x1  }
0x13: {  	[smem:$0x3FB8] =	sst s0;
	s0 =	simm.s32 @!p1 $0x0  }
0x14: {  	s2 =	sld [smem:$0x3F9C];
	s0 =	simm.s32 @p1 $0x1  }
0x15: {  	[smem:$0x3FB9] =	sst s0;
	s0 =	simm.s32 @!p2 $0x0  }
0x16: {  	s3 =	sld [smem:$0x3FDB];
	s0 =	simm.s32 @p2 $0x1  }
0x17: {  	s4 =	simm.s32 $0x1BF5;
	[smem:$0x3FBB] =	sst s0  }
0x18: {  	s0 =	sld [smem:$0x3F9E];
	_ =	swait.ge [sflag:s4], $0x0  }
0x19: {  	s7 =	sld [smem:$0x3F9F]  }
0x1a: {  	s8 =	sadd.s32 $0xFFFFE003, lr  }
0x1b: {  	s9 =	sadd.s32 $0xFFFFFEF7, lr;
	s5 =	simm.s32 $0xFFFFFFFF;
	p2 =	slt.u32 s8, $0xFFFFF086  }
0x1c: {  	p1 =	slt.u32 s9, $0xF7A;
	s5 =	simm.s32 @!p2 $0x0  }
0x1d: {  	s5 =	simm.s32 @p1 $0x1;
	p0 =	seq.s32 s7, s2  }
0x1e: {  	s7 =	smul.u32 @!p0 $0xF7A, s2;
	p2 =	seq.s32 @!p0 s5, $0x0  }
0x1f: {  	s9 =	smul.u32 $0xF7A, s1;
	s8 =	simm.s32 @!p0 $0x1BF5;
	p2 =	por !p2, p0  }
0x20: {  	[sflag:s8] =	ssyncset.s32 @!p0 $0xFFFFF086;
	s6 =	sadd.s32 @!p0 s3, s7;
	s7 =	simm.s32 @!p0 $0x108  }
0x21: {  	s3 =	sadd.s32 s3, s9;
	s6 =	sadd.s32 @!p0 $0x88, s6;
	s7 =	simm.s32 @p2 $0x1082  }
0x22: {  	[simem:s7], [sflag:s8] =	dma.local @!p0 [hbm:s6], $0xF7A  }
0x23: {  	s9 =	sor.u32 $0xD0000000, s2;
	s6 =	simm.s32 $0x108;
	_ =	swait.ge @!p0 [sflag:s8], $0x0  }
0x24: {  	s3 =	sadd.s32 $0x88, s3;
	s6 =	simm.s32 @!p1 $0x1082;
	[sflag:s4] =	ssyncset.s32 $0xFFFFF086  }
0x25: {  	[simem:s6], [sflag:s4] =	dma.local [hbm:s3], $0xF7A  }
0x26: {  	[smem:$0x3F9F] =	sst s1;
	(tag) =	ssettag s2;
	_ =	strace s9  }
0x27: {  	s1 =	sld [smem:$0x3FAF]  }
0x28: {  	s2 =	sld [smem:$0x3FB0]  }
0x29: {  	s4 =	sld [smem:$0x3FB2]  }
0x2a: {  	p0 =	seq.s32 s5, $0x0;
	s5 =	sld [smem:$0x3FB3]  }
0x2b: {  	s6 =	sld [smem:$0x3FB4]  }
0x2c: {  	s7 =	sld [smem:$0x3FB5]  }
0x2d: {  	s3 =	simm.s32 $0x108;
	s8 =	sld [smem:$0x3FB6]  }
0x2e: {  	s3 =	simm.s32 @!p0 $0x1082;
	s9 =	sld [smem:$0x3FB7]  }
0x2f: {  	lr =	sadd.s32 s0, s3;
	s0 =	sld [smem:$0x3FAE]  }
0x30: {  	s3 =	sld [smem:$0x3FB1]  }
0x31: {  	[smem:$0x3FBA] =	sst s10  }
0x32: {  	s10 =	sld [smem:$0x3FB8];
	_ =	sdelay $0x3  }
0x33: {  	p0 =	seq.s32 s10, $0x1;
	s10 =	sld [smem:$0x3FBA];
	_ =	sdelay $0x3  }
0x34: {  	[smem:$0x3FBA] =	sst s10  }
0x35: {  	s10 =	sld [smem:$0x3FB9];
	_ =	sdelay $0x3  }
0x36: {  	p1 =	seq.s32 s10, $0x1;
	s10 =	sld [smem:$0x3FBA];
	_ =	sdelay $0x3  }
0x37: {  	[smem:$0x3FBA] =	sst s10  }
0x38: {  	s10 =	sld [smem:$0x3FBB]  }
0x39: {  	_ = 	snop;
	(pc) =	sbr.ind lr, $3  }
0x3a: {  	_ = 	snop  }
0x3b: {  	_ = 	snop  }
0x3c: {  	p2 =	seq.s32 s10, $0x1;
	s10 =	sld [smem:$0x3FBA]  }
0x3d: {  	_ =	shalt  }
0x3e: {  	_ =	shalt  }
0x3f: {  	_ =	shalt  }
0x40: {  	_ =	shalt  }
0x41: {  	_ =	shalt  }
0x42: {  	_ =	shalt  }
0x43: {  	_ =	shalt  }
0x44: {  	_ =	shalt  }
0x45: {  	_ =	shalt  }
0x46: {  	_ =	shalt  }
0x47: {  	_ =	shalt  }
0x48: {  	_ =	shalt  }
0x49: {  	_ =	shalt  }
0x4a: {  	_ =	shalt  }
0x4b: {  	_ =	shalt  }
0x4c: {  	_ =	shalt  }
0x4d: {  	_ =	shalt  }
0x4e: {  	_ =	shalt  }
0x4f: {  	_ =	shalt  }
0x50: {  	_ =	shalt  }
0x51: {  	_ =	shalt  }
0x52: {  	_ =	shalt  }
0x53: {  	_ =	shalt  }
0x54: {  	_ =	shalt  }
0x55: {  	_ =	shalt  }
0x56: {  	_ =	shalt  }
0x57: {  	_ =	shalt  }
0x58: {  	_ =	shalt  }
0x59: {  	_ =	shalt  }
0x5a: {  	_ =	shalt  }
0x5b: {  	_ =	shalt  }
0x5c: {  	_ =	shalt  }
0x5d: {  	_ =	shalt  }
0x5e: {  	_ =	shalt  }
0x5f: {  	_ =	shalt  }
0x60: {  	_ =	shalt  }
0x61: {  	_ =	shalt  }
0x62: {  	_ =	shalt  }
0x63: {  	_ =	shalt  }
0x64: {  	_ =	shalt  }
0x65: {  	_ =	shalt  }
0x66: {  	_ =	shalt  }
0x67: {  	_ =	shalt  }
0x68: {  	_ =	shalt  }
0x69: {  	_ =	shalt  }
0x6a: {  	_ =	shalt  }
0x6b: {  	_ =	shalt  }
0x6c: {  	_ =	shalt  }
0x6d: {  	_ =	shalt  }
0x6e: {  	_ =	shalt  }
0x6f: {  	_ =	shalt  }
0x70: {  	_ =	shalt  }
0x71: {  	_ =	shalt  }
0x72: {  	_ =	shalt  }
0x73: {  	_ =	shalt  }
0x74: {  	_ =	shalt  }
0x75: {  	_ =	shalt  }
0x76: {  	_ =	shalt  }
0x77: {  	_ =	shalt  }
0x78: {  	_ =	shalt  }
0x79: {  	_ =	shalt  }
0x7a: {  	_ =	shalt  }
0x7b: {  	_ =	shalt  }
0x7c: {  	_ =	shalt  }
0x7d: {  	_ =	shalt  }
0x7e: {  	_ =	shalt  }
0x7f: {  	_ =	shalt  }
0x80: {  	_ =	shalt  }
0x81: {  	_ =	shalt  }
0x82: {  	_ =	shalt  }
0x83: {  	_ =	shalt  }
0x84: {  	_ =	shalt  }
0x85: {  	_ =	shalt  }
0x86: {  	_ =	shalt  }
0x87: {  	_ =	shalt  }
.Lfunc_end0:
.L_simem_size_0:
called_computation_lowered:
.L_overlay_start_0:
0x88: {  	s0 =	sld [smem:$0x3FD9]  }
0x89: {  	s1 =	sld [smem:$0x3FFE];
	_ =	sdelay $0x3  }
0x8a: {  	s0 =	sadd.s32 s1, s0  }
0x8b: {  	[smem:$0x3FC6] =	sst s0  }
0x8c: {  	_ = 	snop  }
0x8d: {  	(tm) =	ssettm $0x1  }
0x8e: {  	s15 =	sld [smem:$0x3FFB];
	_ =	sdelay $0x3  }
0x8f: {  	_ =	strace s15  }
0x90: {  	s0 =	sld [smem:$0x3FFC];
	_ =	sdelay $0x3  }
0x91: {  	_ =	strace s0  }
0x92: {  	s0 =	sld [smem:$0x3FFD];
	_ =	sdelay $0x3  }
0x93: {  	_ =	strace s0  }
0x94: {  	_ =	strace $0x8FFFFFFF  }
0x95: {  	s16 =	sld [smem:$0x3FDB];
	_ =	sdelay $0x1  }
0x96: {  	s17 =	simm.s32 $_scs_section_size  }
0x97: {  	s2 =	simm.s32 $_size__tile_overlayer_lowered;
	s3 =	simm.s32 $_tile_overlayer_lowered  }
0x98: {  	s20 =	simm.s32 $0x1BFF;
	s19 =	sshll.u32 s3, $0x1;
	s0 =	sadd.s32 s17, s16  }
0x99: {  	s4 =	simm.s32 $0x0;
	s18 =	sshll.u32 s2, $0x1;
	s2 =	sadd.s32 s19, s0  }
0x9a: {  	[timem:s4], [sflag:s20] =	dma.local [hbm:s2], s18  }
0x9b: {  	_ =	swait.ge [sflag:s20], s18  }
0x9c: {  	s1 =	ssub.s32 $0x0, s18;
	[sflag:s20] =	ssyncset.done $0x0  }
0x9d: {  	[sflag:s20] =	ssyncadd.s32 s1;
	_ =	sdelay $0x1  }
0x9e: {  	s21 =	simm.s32 $0x1B8B  }
0x9f: {  	_ =	swait.ge [sflag:s21], $0x1  }
0xa0: {  	[sflag:s21] =	ssyncset.done $0x0  }
0xa1: {  	s23 =	simm.s32 $0x1B8E;
	s22 =	sld [smem:$0x3FFE];
	[sflag:s21] =	ssyncadd.s32 $0xFFFFFFFF  }
0xa2: {  	s24 =	simm.s32 $execute0_lowered;
	[smem:$0x3FD2] =	sst s23  }
0xa3: {  	s2 =	sshll.u32 s24, $0x1;
	_ =	strace $0x80000046;
	[dreg:$0x1] =	wrdreg $0xFFFFFFFF  }
0xa4: {  	s25 =	simm.s32 $_size_execute0_lowered;
	s0 =	sadd.s32 s0, s2;
	[dreg:$0x0] =	wrdreg $0x0  }
0xa5: {  	s2 =	sshll.u32 s25, $0x1;
	[dreg:$0x2] =	wrdreg s0  }
0xa6: {  	[dreg:$0x3] =	wrdreg s2  }
0xa7: {  	[dreg:$0x4] =	wrdreg $0xC0  }
0xa8: {  	_ =	task [dreg:s4], $0x5FFFF  }
0xa9: {  	[dreg:$0x1] =	wrdreg $0xFFFFFFFF  }
0xaa: {  	[dreg:$0x0] =	wrdreg $0x60  }
0xab: {  	[dreg:$0x2] =	wrdreg s22  }
0xac: {  	[dreg:$0x3] =	wrdreg $0x9  }
0xad: {  	_ =	task.clear_ibuf [dreg:s4], $0x4FFFF;
	_ =	strace $0x90000046  }
0xae: {  	s26 =	simm.s32 $0x9;
	_ =	strace $0x80000048  }
0xaf: {  	_ =	swait.ge [sflag:s26], $0x1  }
0xb0: {  	[sflag:s26] =	ssyncadd.s32 $0xFFFFFFFF  }
0xb1: {  	_ =	strace $0x90000048  }
0xb2: {  	_ =	sfence  }
0xb3: {  	s28 =	sld [smem:$0x0];
	_ =	sdelay $0x1  }
0xb4: {  	s29 =	srdreg.scid  }
0xb5: {  	s30 =	sshll.u32 s29, $0xD;
	s31 =	sshrl.u32 s29, $0x2  }
0xb6: {  	s1 =	sand.u32 $0x1, s29;
	s2 =	sand.u32 $0x4000, s30;
	s0 =	sadd.s32 s31, s28  }
0xb7: {  	s1 =	sor.u32 s2, s1;
	s0 =	sshll.u32 s0, $0x11  }
0xb8: {  	s0 =	sor.u32 s0, s1  }
0xb9: {  	s0 =	sadd.s32 $0x8F2B, s0  }
0xba: {  	[sflag:s0] =	ssyncadd.remote.s32 $0x1  }
0xbb: {  	_ =	sfence.sel $0xFFFF  }
0xbc: {  	[dreg:$0x0] =	wrdreg $0xFFFFFFFF;
	(pc) =	sbr.abs _section_cstart, $3  }
0xbd: {  	[dreg:$0x1] =	wrdreg $0xFFFFFFFF  }
0xbe: {  	_ =	task.clear_ibuf [dreg:s4], $0x2FFFF;
	_ =	strace $0x9FFFFFFF  }
0xbf: {  	(tm) =	ssettm $0x7FFFFFFF  }
tec
execute0_lowered:
.L_overlay_start_1:
0x0: {  	(tag) =	ssettag $0x1  }
0x1: {  	s0 =	rddreg [dreg:$0x0];
	_ =	strace $0x80000047;
	s3 =	simm.s32 $0x1  }
0x2: {  	v1 =	vimm.s32 $0xFFFFFFFF;
	[sflag:s3] =	ssyncpa.u1 $0x0  }
0x3: {  	[tilespmem:$0x10] =	vst v1  }
0x4: {  	v0 =	vimm.s32 $0x80000000;
	[tilespmem:$0x20] =	vst v1  }
0x5: {  	[tilespmem:$0x30] =	vst v0  }
0x6: {  	s2 =	simm.s32 $0x2;
	s6 =	simm.s32 $0x7;
	[tilespmem:$0x40] =	vst v0  }
0x7: {  	s26 =	stileid.u32;
	s7 =	simm.s32 $0x8;
	s31 =	simm.s32 $0x9;
	[tilespmem:$0x50] =	vst v0  }
0x8: {  	s14 =	simm.s32 $0x0;
	s15 =	simm.s32 $0x100;
	s19 =	simm.s32 $0x2500;
	[tilespmem:$0x60] =	vst v1  }
0x9: {  	s20 =	simm.s32 $0xF;
	s21 =	simm.s32 $0x50;
	s22 =	simm.s32 $0x10FF;
	[tilespmem:$0x70] =	vst v1  }
0xa: {  	s23 =	simm.s32 $0x20;
	s24 =	simm.s32 $0x30;
	s25 =	simm.s32 $0x20FF;
	[tilespmem:$0x80] =	vst v1  }
0xb: {  	s30 =	simm.s32 $0x0;
	s29 =	simm.s32 $0x0;
	s1 =	sadd.s32 $0x2400, s0;
	v1 =	vimm.s32 $0x0;
	[tilespmem:$0xB0] =	vst v0  }
.Ltmp0:
0xc: {  	s4 =	sadd.s32 $0x1400, s0;
	s5 =	sadd.s32 $0x1C00, s0;
	[tilespmem:$0x90] =	vst v1;
	(pc) =	sbr.rel .LBB2_1-.Ltmp0, $4  }
0xd: {  	s8 =	sshll.u32 s26, $0xA;
	s10 =	sshll.u32 s26, $0x1;
	[tilespmem:$0xA0] =	vst v1;
	[sflag:s2] =	ssyncpa.u1 $0x0  }
0xe: {  	s12 =	sshllo.u32 s26, $0x1;
	s26 =	simm.s32 $0x80;
	[sflag:s6] =	ssyncpa.u1 $0x0  }
0xf: {  	vm0 =	vmmov $0xffff;
	v2 =	vlaneseq.u32;
	s9 =	sadd.s32 $0x400, s8;
	s11 =	sor.u32 $0x81, s10;
	[sflag:s7] =	ssyncpa.u1 $0x0  }
0x10: {  	vm1 =	vmxor vm1, vm1;
	vm2 =	vmmov $0x1;
	vm3 =	vcmask $0x3F3C;
	s13 =	sor.u32 $0x80, s10;
	s28 =	smov.u32 s8;
	[sflag:s31] =	ssyncpa.u1 $0x0  }
.LBB2_3:
0x11: {  	s0 =	sshrl.u32 s28, $0x3  }
0x12: {  	s2 =	sand.u32 $0x7, s28;
	s0 =	sadd.s32 s4, s0  }
0x13: {  	[tilespmem:s15], [sflag:$0x7] =	stream.linear.gather [hbm4b:s0+s2], $0x400, $0x38;
	[tilespmem:$0x2520] =	vst v63  }
.LBB2_4:
0x14: {  	s0 =	sadd.s32 $0x400, s28  }
0x15: {  	s2 =	smov.u32 s8;
	s29 =	sadd.s32 $0x1, s29;
	p0 =	slt.s32 s0, s9  }
0x16: {  	s2 =	smov.u32 @p0 s0;
	p0 =	sne.s32 s29, $0x4  }
.Ltmp1:
0x17: {  	_ = 	snop;
	(pc) =	sbr.rel @!p0 .LBB2_13-.Ltmp1, $2  }
0x18: {  	_ =	sdelay $0x2  }
0x19: {  	s30 =	smov.u32 s28;
	s28 =	smov.u32 s2  }
.LBB2_1:
0x1a: {  	p0 =	sgt.s32 s29, $0x1  }
.Ltmp2:
0x1b: {  	_ = 	snop;
	(pc) =	sbr.rel @p0 .LBB2_11-.Ltmp2, $1  }
0x1c: {  	_ =	sdelay $0x3  }
0x1d: {  	p0 =	seq.s32 s29, $0x0  }
.Ltmp3:
0x1e: {  	_ = 	snop;
	(pc) =	sbr.rel @p0 .LBB2_3-.Ltmp3, $1  }
0x1f: {  	_ =	sdelay $0x3  }
0x20: {  	_ =	swait.ge [sflag:s6], $0x400  }
0x21: {  	[sflag:s6] =	ssyncset.done $0x0  }
0x22: {  	[sflag:s6] =	ssyncadd.s32 $0xFFFFFC00;
	(ifvalue) =	ssetifvalue $0xFFFFFFFF;
	v3 =	vld.msk [tilespmem:s15+$0x0 ss:$0x1], $0xffff;
	_ =	sdelay $0x4  }
0x23: {  	v4 =	vperm.xlane v3, v1  }
0x24: {  	vm4 =	vlt.u32 v3, $0xF4400  }
0x25: {  	v3 =	vnsel vm4, $0xFFFFFFFE, v3;
	vm4 =	vlt.u32 v4, $0xF4400  }
0x26: {  	[tilespmem:$0x70] =	vst v3;
	v3 =	vnsel vm4, $0xFFFFFFFE, v4  }
0x27: {  	s17 =	simm.s32 $0x4F0;
	[tilespmem:$0x80] =	vst v3  }
0x28: {  	v3 =	vld.msk [tilespmem:s17+$0x0 ss:$0x1], $0xffff;
	_ =	sdelay $0x4  }
0x29: {  	(xrf1) =	vunique.msk.u32 $0xffff, v3;
	_ =	sdelay $0xd  }
0x2a: {  	v4 =	vimm.s32 $0xFFFFFFFF;
	v5, _, _ =	vpop (xrf1)  }
0x2b: {  	vm5 =	vne.s32 v3, v4;
	vm4 =	veq.s32 v5, v2  }
0x2c: {  	vm6 =	vlt.u32 v3, $0xF4400;
	vm4 =	vmand vm5, vm4  }
0x2d: {  	vm4 =	vmand vm6, vm4  }
0x2e: {  	v4 =	vnsel vm4, $0xFFFFFFFF, v3;
	_ =	sdelay $0x3  }
0x2f: {  	s0 =	simm.s32 $0x10F0;
	(ifvalue) =	ssetifvalue $0xFFFFFFFF  }
0x30: {  	v3 =	vperm.xlane v3, v1;
	[tilespmem:s0], [sflag:$0x8] =	stream.indirect_vreg.gather [hbm4b:s1+s14], $0x1, v4, vm0, $0x4038;
	v4 =	vnsel vm6, $0xFFFFFFFE, v4;
	[tilespmem:$0x2520] =	vst v63  }
0x31: {  	s2 =	simm.s32 $0x0;
	s16 =	simm.s32 $0x4E0;
	[tilespmem:s17+$0x0] =	vst v4  }
.LBB2_6:
0x32: {  	v4 =	vld.msk [tilespmem:s16+$0x0 ss:$0x1], $0xffff;
	s2 =	sadd.s32 $0x10, s2;
	v5 =	vmov v3;
	s17 =	smov.u32 s16  }
0x33: {  	p0 =	slt.u32 s2, $0x3F0;
	_ =	sdelay $0x4  }
0x34: {  	v3 =	vperm.xlane v4, v1;
	(xrf1) =	vunique.msk.u32 $0xffff, v4;
	_ =	sdelay $0xd  }
0x35: {  	v6, _, _ =	vpop (xrf1)  }
0x36: {  	vm5 =	vne.s32 v4, v5;
	vm4 =	veq.s32 v6, v2  }
0x37: {  	vm6 =	vlt.u32 v4, $0xF4400;
	vm4 =	vmand vm5, vm4  }
0x38: {  	vm4 =	vmand vm6, vm4  }
0x39: {  	v4 =	vnsel vm4, $0xFFFFFFFF, v4  }
.Ltmp4:
0x3a: {  	v5 =	vnsel vm6, $0xFFFFFFFE, v4;
	(pc) =	sbr.rel @p0 .LBB2_6-.Ltmp4, $3  }
0x3b: {  	_ =	sdelay $0x1  }
0x3c: {  	s16 =	sadd.s32 $0xFFFFFFF0, s16;
	s0 =	sadd.s32 $0xFFFFFFF0, s0;
	(ifvalue) =	ssetifvalue $0xFFFFFFFF  }
0x3d: {  	[tilespmem:s0], [sflag:$0x8] =	stream.indirect_vreg.gather [hbm4b:s1+s14], $0x1, v4, vm0, $0x4038;
	[tilespmem:s17+$0x0] =	vst v5  }
.Ltmp5:
0x3e: {  	(pc) =	sbr.rel .LBB2_4-.Ltmp5, $4  }
0x3f: {  	_ = 	snop  }
0x40: {  	s0 =	sshrl.u32 s30, $0x3  }
0x41: {  	s2 =	simm.s32 $0x1500;
	s0 =	sadd.s32 s5, s0  }
0x42: {  	[tilespmem:s2], [sflag:$0x8] =	stream.linear.gather [hbm:s0], $0x400, $0x38;
	[tilespmem:$0x2520] =	vst v63  }
.LBB2_11:
0x43: {  	p0 =	seq.s32 s29, $0x2  }
.Ltmp6:
0x44: {  	_ = 	snop;
	(pc) =	sbr.rel @!p0 .LBB2_12-.Ltmp6, $1  }
0x45: {  	_ =	sdelay $0x3  }
0x46: {  	_ =	swait.ge [sflag:s7], $0x800  }
0x47: {  	[sflag:s7] =	ssyncset.done $0x0  }
0x48: {  	s0 =	simm.s32 $0x4FF;
	[sflag:s7] =	ssyncadd.s32 $0xFFFFF800  }
0x49: {  	[spmem:s11] =	stream.linear.scatter [tilespmem:s0], [sflag:$0x1], $0x1, $0x38;
	[tilespmem:$0x2520] =	vst v63  }
0x4a: {  	_ =	swait.ge [sflag:s3], $0x1  }
0x4b: {  	[sflag:s3] =	ssyncset.done $0x0  }
0x4c: {  	[sflag:s3] =	ssyncadd.s32 $0xFFFFFFFF  }
0x4d: {  	v4 =	vld [tilespmem:$0x10]  }
0x4e: {  	v5 =	vld [tilespmem:$0x70]  }
0x4f: {  	v3 =	vld [tilespmem:$0x80];
	_ =	sdelay $0x2  }
0x50: {  	(v2sf) =	vpush v4, $0x0  }
0x51: {  	(v2sf) =	vpush v5, $0x0  }
0x52: {  	(v2sf) =	vpush v3, $0x0;
	_ =	sdelay $0xc  }
0x53: {  	s18 =	spop (v2sf)  }
0x54: {  	s2 =	spop (v2sf)  }
0x55: {  	s30 =	spop (v2sf)  }
0x56: {  	p0 =	seq.s32 s18, s2;
	p1 =	seq.s32 s30, s18  }
0x57: {  	p1 =	por p0, p1  }
0x58: {  	s2 =	simm.s32 $0x10;
	v4 =	vpsel p1, $0xFFFFFFFF, v4  }
0x59: {  	[tilespmem:s2+$0x0] =	vst.msk $0x1, v4  }
0x5a: {  	v4 =	vld [tilespmem:$0x30]  }
0x5b: {  	v5 =	vld [tilespmem:$0x1500]  }
0x5c: {  	v6 =	vld [tilespmem:$0x40];
	_ =	sdelay $0x3  }
0x5d: {  	vm4 =	vmmov vm1;
	vm6 =	vmmov vm2;
	vm5 =	vgt.s32 v4, v5  }
0x5e: {  	s16 =	simm.s32 $0x1500;
	vm4 =	vmmov @p0 vm2;
	v5 =	vsel vm5, v4, v5;
	vm5 =	vgt.s32 v4, v6  }
0x5f: {  	vm6 =	vmmov @p1 vm1;
	v4 =	vsel vm5, v4, v6;
	[tilespmem:s16+$0x0] =	vst.msk vm4, v5  }
0x60: {  	[tilespmem:s19+$0x0] =	vst.msk vm6, v4  }
0x61: {  	v4 =	vld [tilespmem:$0x10F0];
	_ =	sdelay $0x4  }
0x62: {  	v4 =	vshift.insert v4, v1, s20;
	_ =	sdelay $0x1  }
0x63: {  	v5 =	vimm.s32 $0x80000000;
	[tilespmem:s21+$0x0] =	vst.msk $0x1, v4  }
0x64: {  	[tilespmem:s22+$0x0] =	vst.msk $0x1, v5  }
0x65: {  	v4 =	vld [tilespmem:$0x4F0];
	_ =	sdelay $0x4  }
0x66: {  	v4 =	vshift.insert v4, v1, s20;
	_ =	sdelay $0x1  }
0x67: {  	[tilespmem:s23+$0x0] =	vst.msk $0x1, v4  }
0x68: {  	v6 =	vld [tilespmem:s16+$0x0]  }
0x69: {  	s17 =	simm.s32 $0x100  }
0x6a: {  	v7 =	vld [tilespmem:s17+$0x0];
	_ =	sdelay $0x2  }
0x6b: {  	vm4 =	vgt.s32 v6, v5  }
0x6c: {  	v5 =	vsel vm4, v6, v5  }
0x6d: {  	vm4 =	vne.s32 v7, $0xFFFFFFFF;
	v5 =	vxor.u32 $0x80000000, v5  }
0x6e: {  	(xrf0) =	vmax.seg.scan.u32 vm4, v5  }
0x6f: {  	s18 =	simm.s32 $0xD00  }
0x70: {  	v8 =	vld [tilespmem:s18+$0x0]  }
0x71: {  	v6 =	vld [tilespmem:$0xA0];
	_ =	sdelay $0x2  }
0x72: {  	v5 =	vperm.xlane v4, v1;
	v9, _, _ =	vpop (xrf0)  }
0x73: {  	vm6 =	veq.s32 v7, v3;
	v9 =	vxor.u32 $0x80000000, v9  }
0x74: {  	vm8 =	veq.s32 v7, v5;
	vm5 =	veq.s32 v6, $0x1;
	vm7 =	vgt.s32 v9, v8  }
0x75: {  	vm8 =	vmor vm8, vm6;
	v6 =	vsel vm7, v9, v8;
	vm7 =	vgt.u32 v7, $0xFFFFFFFD  }
0x76: {  	v10 =	vld [tilespmem:$0x90];
	vm9 =	vmand vm4, vm3;
	vm4 =	vmor vm5, vm6;
	vm5 =	vmor vm8, vm7  }
0x77: {  	v8 =	vsel vm5, $0xFFFFFFFF, v7;
	_ =	sdelay $0x1  }
0x78: {  	s31 =	simm.s32 $0x1D00  }
0x79: {  	s0 =	simm.s32 $0x0;
	s2 =	simm.s32 $0x1510;
	s16 =	simm.s32 $0x110;
	v11 =	vsel vm9, $0x80000000, v9;
	v6 =	vsel vm6, v9, v6  }
0x7a: {  	s17 =	simm.s32 $0x1D10;
	s18 =	simm.s32 $0xD10;
	[tilespmem:s31+$0x0] =	vst v6;
	v6 =	vsel vm6, v9, v10;
	v7 =	vshift.insert v11, v0, s20;
	(ifvalue) =	ssetifvalue $0xFFFFFFFF  }
.LBB2_9:
0x7b: {  	[hbm4b:s1+s14] =	stream.indirect_vreg.scatter [tilespmem:s31], [sflag:$0x2], $0x1, v8, vm0, $0x4038;
	[tilespmem:$0x2520] =	vst v63  }
0x7c: {  	s0 =	sadd.s32 $0x10, s0;
	s31 =	smov.u32 s17;
	v8 =	vld [tilespmem:s2+$0x0]  }
0x7d: {  	p0 =	slt.u32 s0, $0x3F0  }
0x7e: {  	v9 =	vld [tilespmem:s16+$0x0];
	_ =	sdelay $0x2  }
0x7f: {  	vm5 =	vgt.s32 v8, v7  }
0x80: {  	v7 =	vsel vm5, v8, v7  }
0x81: {  	vm5 =	vne.s32 v9, $0xFFFFFFFF;
	v7 =	vxor.u32 $0x80000000, v7  }
0x82: {  	(xrf0) =	vmax.seg.scan.u32 vm5, v7;
	_ =	sdelay $0x2  }
0x83: {  	v7 =	vld [tilespmem:s18+$0x0];
	_ =	sdelay $0x1  }
0x84: {  	vm6 =	veq.s32 v9, v3;
	vm7 =	veq.s32 v9, v5  }
0x85: {  	vm8 =	vgt.u32 v9, $0xFFFFFFFD;
	vm4 =	vmor vm4, vm6;
	vm7 =	vmor vm7, vm6;
	v8, _, _ =	vpop (xrf0)  }
0x86: {  	vm5 =	vmand vm5, vm3;
	vm7 =	vmor vm7, vm8;
	v10 =	vxor.u32 $0x80000000, v8  }
.Ltmp7:
0x87: {  	v8 =	vsel vm7, $0xFFFFFFFF, v9;
	vm7 =	vgt.s32 v10, v7;
	v9 =	vsel vm5, $0x80000000, v10;
	(pc) =	sbr.rel @p0 .LBB2_9-.Ltmp7, $4  }
0x88: {  	v6 =	vsel vm6, v10, v6;
	v11 =	vsel vm7, v10, v7;
	v7 =	vshift.insert v9, v0, s20  }
0x89: {  	v9 =	vsel vm6, v10, v11  }
0x8a: {  	s2 =	sadd.s32 $0x10, s2;
	s16 =	sadd.s32 $0x10, s16;
	[tilespmem:s17+$0x0] =	vst v9  }
0x8b: {  	s18 =	sadd.s32 $0x10, s18;
	s17 =	sadd.s32 $0x10, s17;
	(ifvalue) =	ssetifvalue $0xFFFFFFFF  }
0x8c: {  	_ =	sdelay $0x3  }
0x8d: {  	[hbm4b:s1+s14] =	stream.indirect_vreg.scatter [tilespmem:s31], [sflag:$0x2], $0x1, v8, vm0, $0x4038;
	[tilespmem:$0x2520] =	vst v63  }
0x8e: {  	v3 =	vld [tilespmem:$0x20F0];
	_ =	sdelay $0x4  }
0x8f: {  	v3 =	vshift.insert v3, v1, s20;
	_ =	sdelay $0x1  }
0x90: {  	[tilespmem:s24+$0x0] =	vst.msk $0x1, v3  }
0x91: {  	v3 =	vsel vm4, $0x1, v1;
	[tilespmem:$0x90] =	vst v6  }
0x92: {  	[tilespmem:$0xA0] =	vst v3  }
0x93: {  	[spmem:s12] =	stream.linear.scatter [tilespmem:s25], [sflag:$0x1], $0x1, $0x38;
	[tilespmem:$0x2520] =	vst v63  }
0x94: {  	v3 =	vmctz.xlane vm4;
	_ =	swait.ge [sflag:s3], $0x1  }
0x95: {  	(v2sf) =	vpush v4, $0x0  }
0x96: {  	(v2sf) =	vpush v3, $0x0;
	_ =	sdelay $0xd  }
0x97: {  	s0 =	spop (v2sf)  }
0x98: {  	s2 =	spop (v2sf)  }
0x99: {  	[sflag:s3] =	ssyncset.done $0x0;
	p0 =	sne.s32 s30, s0;
	p1 =	slt.s32 s2, $0xF  }
0x9a: {  	[sflag:s3] =	ssyncadd.s32 $0xFFFFFFFF;
	v3 =	vimm.s32 @!p0 $0xFFFFFFFF;
	s2 =	simm.s32 @!p1 $0xF  }
0x9b: {  	[tilespmem:$0x80] =	vst @!p0 v3;
	s31 =	sadd.s32 $0x90, s2  }
0x9c: {  	[spmem:s10] =	stream.linear.scatter [tilespmem:s31], [sflag:$0x1], $0x1, $0x38;
	[tilespmem:$0x2520] =	vst v63  }
0x9d: {  	_ =	swait.ge [sflag:s3], $0x1  }
0x9e: {  	[sflag:s3] =	ssyncset.done $0x0  }
0x9f: {  	[sflag:s3] =	ssyncadd.s32 $0xFFFFFFFF  }
0xa0: {  	[spmem:s13] =	stream.linear.scatter [tilespmem:s26], [sflag:$0x1], $0x1, $0x38;
	[tilespmem:$0x2520] =	vst v63  }
0xa1: {  	_ =	swait.ge [sflag:s3], $0x1  }
0xa2: {  	[sflag:s3] =	ssyncset.done $0x0  }
0xa3: {  	[sflag:s3] =	ssyncadd.s32 $0xFFFFFFFF;
	(ifvalue) =	ssetifvalue $0xFFFFFFFF;
	v3 =	vld [tilespmem:$0x10];
	_ =	sdelay $0x3  }
.Ltmp8:
0xa4: {  	_ = 	snop;
	(pc) =	sbr.rel .LBB2_4-.Ltmp8, $3  }
0xa5: {  	_ =	sdelay $0x1  }
0xa6: {  	(ifvalue) =	ssetifvalue $0xFFFFFFFF  }
0xa7: {  	[hbm4b:s1+s14] =	stream.indirect_vreg.scatter [tilespmem:s19], [sflag:$0x9], $0x1, v3, vm0, $0x4038;
	[tilespmem:$0x2520] =	vst v63  }
.LBB2_12:
0xa8: {  	s0 =	simm.s32 $0x2  }
0xa9: {  	_ =	swait.ge [sflag:s0], $0x400  }
0xaa: {  	[sflag:s0] =	ssyncset.done $0x0  }
0xab: {  	s31 =	simm.s32 $0x9;
	[sflag:s0] =	ssyncadd.s32 $0xFFFFFC00  }
0xac: {  	_ =	swait.ge [sflag:s31], $0x10  }
0xad: {  	[sflag:s31] =	ssyncset.done $0x0  }
0xae: {  	[sflag:s31] =	ssyncadd.s32 $0xFFFFFFF0  }
.LBB2_13:
0xaf: {  	_ =	sfence.sel $0x180000  }
0xb0: {  	s0 =	simm.s32 $0x7;
	[bflag:$0x0] =	sbarrier.arrive $0xFFFF  }
0xb1: {  	s26 =	simm.s32 $0x8;
	[sflag:s0] =	ssyncpa.u1 $0x1  }
0xb2: {  	s28 =	simm.s32 $0x9;
	[sflag:s26] =	ssyncpa.u1 $0x1  }
0xb3: {  	[sflag:s28] =	ssyncpa.u1 $0x1  }
0xb4: {  	_ =	sfence.stream.spmem  }
0xb5: {  	s29 =	simm.s32 $0x3;
	[bflag:$0x0] =	sbarrier.arrive $0xFFFF  }
0xb6: {  	s30 =	simm.s32 $0x4;
	[sflag:s29] =	ssyncpa.u1 $0x1  }
0xb7: {  	s31 =	simm.s32 $0x3C;
	s2 =	stileid.u32;
	[sflag:s30] =	ssyncpa.u1 $0x1  }
0xb8: {  	p0 =	sne.s32 s2, $0x0;
	[sflag:s31] =	ssyncpa.u1 $0x1  }
0xb9: {  	s0 =	simm.s32 @p0 $0x1;
	_ =	sfence @p0  }
0xba: {  	[sflag:s0] =	ssyncpa.u1 @p0 $0x1;
	s0 =	simm.s32 @p0 $0x2  }
0xbb: {  	[sflag:s0] =	ssyncpa.u1 @p0 $0x1  }
0xbc: {  	_ =	strace @p0 $0x90000047  }
0xbd: {  	[bflag:$0x2] =	sbarrier.arrive @p0 $0xFFFF  }
0xbe: {  	_ =	shalt @p0  }
.LBB2_14:
0xbf: {  	_ =	sfence.stream.spmem;
	s0 =	simm.s32 $0x5  }
0xc0: {  	s2 =	simm.s32 $0x80;
	s3 =	simm.s32 $0xC0;
	[sflag:s0] =	ssyncpa.u1 $0x0  }
0xc1: {  	[tilespmem:s3], [sflag:$0x5] =	stream.linear.gather [spmem:s2], $0x20, $0x38;
	[tilespmem:$0x2520] =	vst v63  }
0xc2: {  	s30 =	simm.s32 $0xE0;
	s2 =	simm.s32 $0x0  }
0xc3: {  	[tilespmem:s30], [sflag:$0x5] =	stream.linear.gather [spmem:s2], $0x20, $0x38;
	[tilespmem:$0x2520] =	vst v63  }
.Ltmp9:
0xc4: {  	_ = 	snop;
	(pc) =	sbr.rel .LBB2_15-.Ltmp9, $4  }
0xc5: {  	_ =	swait.ge [sflag:s0], $0x40  }
0xc6: {  	[sflag:s0] =	ssyncset.done $0x0  }
0xc7: {  	s31 =	simm.s32 $0x6;
	[sflag:s0] =	ssyncadd.s32 $0xFFFFFFC0  }
0xc8: {  	s3 =	simm.s32 $0x0;
	[sflag:s31] =	ssyncpa.u1 $0x0  }
.LBB2_20:
0xc9: {  	p0 =	sgt.u32 s4, $0xF43FF  }
0xca: {  	s0 =	sshrl.u32 @!p0 s4, $0x3  }
0xcb: {  	s4 =	sand.u32 @!p0 $0x7, s4;
	s5 =	simm.s32 @!p0 $0xB0;
	s0 =	sadd.s32 @!p0 s1, s0  }
0xcc: {  	[tilespmem:s5], [sflag:$0x6] =	stream.linear.gather @!p0 [hbm4b:s0+s4], $0x1, $0x38;
	[tilespmem:$0x2520] =	vst v63  }
0xcd: {  	s0 =	simm.s32 @!p0 $0x6  }
0xce: {  	_ =	swait.ge @!p0 [sflag:s0], $0x1  }
0xcf: {  	[sflag:s0] =	ssyncset.done @!p0 $0x0  }
0xd0: {  	[sflag:s0] =	ssyncadd.s32 @!p0 $0xFFFFFFFF  }
0xd1: {  	v1 =	vld.msk @!p0 [tilespmem:$0xB0], $0x1  }
0xd2: {  	v2 =	vld.msk @!p0 [tilespmem:s3+$0xE0], $0x1;
	_ =	sdelay $0x4  }
0xd3: {  	vm0 =	vgt.s32 @!p0 v2, v1  }
0xd4: {  	v1 =	vsel @!p0 vm0, v2, v1  }
0xd5: {  	[tilespmem:s3+$0xE0] =	vst.msk @!p0 $0x1, v1  }
0xd6: {  	[tilespmem:s2+$0xC0] =	vst.msk $0x1, v0  }
0xd7: {  	v0 =	vld.msk [tilespmem:s3+$0xE0], $0x1;
	_ =	sdelay $0x4  }
0xd8: {  	[tilespmem:s2+$0xE0] =	vst.msk $0x1, v0;
	s2 =	sadd.s32 $0x1, s2  }
.LBB2_22:
0xd9: {  	s3 =	sadd.s32 $0x1, s3  }
0xda: {  	p0 =	sne.s32 s3, $0x20  }
.Ltmp10:
0xdb: {  	_ = 	snop;
	(pc) =	sbr.rel @!p0 .LBB2_23-.Ltmp10, $1  }
0xdc: {  	_ =	sdelay $0x3  }
.LBB2_15:
0xdd: {  	v0 =	vld.msk [tilespmem:s3+$0xC0], $0x1;
	_ =	sdelay $0x4  }
0xde: {  	(v2sf) =	vpush v0, $0x0;
	_ =	sdelay $0xe  }
0xdf: {  	s4 =	spop (v2sf)  }
0xe0: {  	p0 =	seq.s32 s4, $0xFFFFFFFF  }
.Ltmp11:
0xe1: {  	_ = 	snop;
	(pc) =	sbr.rel @p0 .LBB2_22-.Ltmp11, $1  }
0xe2: {  	_ =	sdelay $0x3  }
0xe3: {  	p0 =	slt.s32 s2, $0x1  }
.Ltmp12:
0xe4: {  	_ = 	snop;
	(pc) =	sbr.rel @p0 .LBB2_20-.Ltmp12, $1  }
0xe5: {  	_ =	sdelay $0x3  }
0xe6: {  	s0 =	simm.s32 $0xC0;
	p0 =	por $0x0, $0x0  }
0xe7: {  	v1 =	vld.msk @!p0 [tilespmem:s0+$0x0], $0x1;
	_ =	sdelay $0x4  }
0xe8: {  	(v2sf) =	vpush @!p0 v1, $0x0;
	_ =	sdelay $0xd  }
0xe9: {  	p2 =	sne.s32 s2, $0x1  }
.Ltmp13:
0xea: {  	s5 =	spop @!p0 (v2sf);
	(pc) =	sbr.rel @!p2 .LBB2_19-.Ltmp13, $4  }
0xeb: {  	p1 =	seq.s32 @!p0 s4, s5  }
0xec: {  	s5 =	simm.s32 $0x0;
	p1 =	por !p1, p0  }
0xed: {  	s7 =	simm.s32 $0xFFFFFFFF;
	s5 =	simm.s32 @p1 $0xFFFFFFFF  }
0xee: {  	s6 =	simm.s32 $0x1;
	s5 =	smov.u32 @p0 s7  }
.LBB2_18:
0xef: {  	s7 =	smov.u32 s5;
	p0 =	sne.s32 s5, $0xFFFFFFFF  }
0xf0: {  	s0 =	sadd.s32 $0x1, s0;
	s5 =	smov.u32 s6;
	s6 =	sadd.s32 $0x1, s6  }
0xf1: {  	p1 =	sne.s32 s2, s6;
	v1 =	vld.msk @!p0 [tilespmem:s0+$0x0], $0x1;
	_ =	sdelay $0x4  }
0xf2: {  	(v2sf) =	vpush @!p0 v1, $0x0;
	_ =	sdelay $0xe  }
.Ltmp14:
0xf3: {  	s8 =	spop @!p0 (v2sf);
	(pc) =	sbr.rel @p1 .LBB2_18-.Ltmp14, $4  }
0xf4: {  	p2 =	seq.s32 @!p0 s4, s8  }
0xf5: {  	p2 =	por !p2, p0  }
0xf6: {  	s5 =	simm.s32 @p2 $0xFFFFFFFF  }
0xf7: {  	s5 =	smov.u32 @p0 s7  }
.LBB2_19:
0xf8: {  	p0 =	sne.s32 s5, $0xFFFFFFFF  }
.Ltmp15:
0xf9: {  	_ = 	snop;
	(pc) =	sbr.rel @!p0 .LBB2_20-.Ltmp15, $1  }
0xfa: {  	_ =	sdelay $0x3  }
0xfb: {  	v0 =	vld.msk [tilespmem:s3+$0xE0], $0x1  }
0xfc: {  	v1 =	vld.msk [tilespmem:s5+$0xE0], $0x1;
	_ =	sdelay $0x2  }
.Ltmp16:
0xfd: {  	_ = 	snop;
	(pc) =	sbr.rel .LBB2_22-.Ltmp16, $4  }
0xfe: {  	_ = 	snop  }
0xff: {  	vm0 =	vgt.s32 v1, v0  }
0x100: {  	v0 =	vsel vm0, v1, v0  }
0x101: {  	[tilespmem:s5+$0xE0] =	vst.msk $0x1, v0  }
.LBB2_23:
0x102: {  	p0 =	slt.s32 s2, $0x1  }
.Ltmp17:
0x103: {  	_ = 	snop;
	(pc) =	sbr.rel @p0 .LBB2_27-.Ltmp17, $3  }
0x104: {  	_ =	sdelay $0x1  }
0x105: {  	s0 =	simm.s32 $0x6  }
0x106: {  	[sflag:s0] =	ssyncpa.u1 $0x1;
	s0 =	simm.s32 $0x0  }
0x107: {  	s3 =	simm.s32 $0xC0  }
0x108: {  	v0 =	vld.msk [tilespmem:s3+$0x0], $0x1;
	_ =	sdelay $0x4  }
0x109: {  	(v2sf) =	vpush v0, $0x0;
	_ =	sdelay $0xe  }
0x10a: {  	s2 =	sadd.s32 $0xFFFFFFFF, s2;
	s4 =	spop (v2sf)  }
0x10b: {  	p1 =	sne.s32 s2, $0x0;
	p0 =	sgt.u32 s4, $0xF43FF  }
.Ltmp18:
0x10c: {  	s5 =	sshrl.u32 @!p0 s4, $0x3;
	(pc) =	sbr.rel @!p1 .LBB2_26-.Ltmp18, $4  }
0x10d: {  	s3 =	simm.s32 $0xE0;
	s4 =	sand.u32 @!p0 $0x7, s4;
	s5 =	sadd.s32 @!p0 s1, s5  }
0x10e: {  	[hbm4b:s5+s4] =	stream.linear.scatter @!p0 [tilespmem:s3], [sflag:$0x5], $0x1, $0x38;
	[tilespmem:$0x2520] =	vst v63  }
0x10f: {  	s5 =	simm.s32 $0x0  }
0x110: {  	s4 =	simm.s32 $0xC1;
	s5 =	simm.s32 @!p0 $0x4  }
.LBB2_25:
0x111: {  	v0 =	vld.msk [tilespmem:s4+$0x0], $0x1;
	s2 =	sadd.s32 $0xFFFFFFFF, s2;
	s0 =	sadd.s32 s0, s5  }
0x112: {  	p0 =	sne.s32 s2, $0x0;
	_ =	sdelay $0x3  }
0x113: {  	(v2sf) =	vpush v0, $0x0;
	_ =	sdelay $0xe  }
.Ltmp19:
0x114: {  	s6 =	spop (v2sf);
	(pc) =	sbr.rel @p0 .LBB2_25-.Ltmp19, $4  }
0x115: {  	s5 =	simm.s32 $0x0;
	p1 =	sgt.u32 s6, $0xF43FF  }
0x116: {  	s3 =	sadd.s32 $0x1, s3;
	s5 =	simm.s32 @!p1 $0x4;
	s7 =	sshrl.u32 @!p1 s6, $0x3  }
0x117: {  	s4 =	sadd.s32 $0x1, s4;
	s6 =	sand.u32 @!p1 $0x7, s6;
	s7 =	sadd.s32 @!p1 s1, s7  }
0x118: {  	[hbm4b:s7+s6] =	stream.linear.scatter @!p1 [tilespmem:s3], [sflag:$0x5], $0x1, $0x38;
	[tilespmem:$0x2520] =	vst v63  }
.LBB2_26:
0x119: {  	s0 =	sadd.s32 s0, s5  }
0x11a: {  	s0 =	sshrl.u32 s0, $0x2  }
.LBB2_27:
0x11b: {  	s1 =	simm.s32 $0x5  }
0x11c: {  	_ =	swait.ge [sflag:s1], s0  }
0x11d: {  	s28 =	ssub.s32 $0x0, s0;
	[sflag:s1] =	ssyncset.done $0x0  }
0x11e: {  	[sflag:s1] =	ssyncadd.s32 s28  }
0x11f: {  	[sflag:s1] =	ssyncpa.u1 $0x1  }
0x120: {  	s29 =	simm.s32 $0x1;
	_ =	sfence  }
0x121: {  	s30 =	simm.s32 $0x2;
	[sflag:s29] =	ssyncpa.u1 $0x1  }
0x122: {  	[sflag:s30] =	ssyncpa.u1 $0x1  }
0x123: {  	_ =	strace $0x90000047  }
0x124: {  	[bflag:$0x2] =	sbarrier.arrive $0xFFFF  }
0x125: {  	s31 =	rddreg [dreg:$0x1]  }
0x126: {  	s0 =	sadd.s32 $0x100000, s31  }
0x127: {  	[sflag:s0] =	ssyncadd.tile.s32 $0x1;
	_ =	shalt  }
.Lfunc_end2:
_tile_overlayer_lowered:
.L_overlay_start_2:
0x128: {  	(tag) =	ssettag $0x2  }
0x129: {  	s0 =	rddreg [dreg:$0x0];
	s2 =	stileid.u32  }
0x12a: {  	s1 =	rddreg [dreg:$0x1];
	p0 =	sne.s32 s2, $0x0  }
0x12b: {  	s3 =	rddreg [dreg:$0x2];
	[bflag:$0x3] =	sbarrier.arrive $0xFFFF;
	s2 =	simm.s32 @!p0 $0x1C01  }
0x12c: {  	[timem:s3], [sflag:s2] =	dma.local @!p0 [hbm:s0], s1  }
0x12d: {  	s0 =	simm.s32 @!p0 $0x1  }
0x12e: {  	_ =	swait.ge @!p0 [sflag:s0], s1  }
0x12f: {  	s1 =	ssub.s32 @!p0 $0x0, s1;
	[sflag:s0] =	ssyncset.done @!p0 $0x0  }
0x130: {  	[sflag:s0] =	ssyncadd.s32 @!p0 s1  }
0x131: {  	[bflag:$0x3] =	sbarrier.arrive $0xFFFF  }
0x132: {  	_ =	shalt  }

</sc_bundles>
